<compile_context>
chip_gen: v7x
topology: tpu7x:2x2x1
jax: 0.10.2.dev20260603
libtpu: 0.0.44.dev20260713+nightly
codegen_flags: <defaults>
</compile_context>

<pallas_src>
import functools

import jax
import jax.numpy as jnp
from jax import lax
from jax.experimental import pallas as pl
from jax.experimental.pallas import tpu as pltpu
from jax.experimental.pallas import tpu_sc as plsc

_NC = 2
_NS = 16
_L = 16

_ROWS = 80
_LANES = 128


def _build_sc_call(num_entities, num_relations, num_edges):
    nw = _NC * _NS
    chunk = num_edges // nw
    groups = chunk // _L

    mesh = plsc.VectorSubcoreMesh(core_axis_name="c", subcore_axis_name="s")

    @functools.partial(
        pl.kernel,
        out_type=jax.ShapeDtypeStruct((_NC, _ROWS, _LANES), jnp.float32),
        mesh=mesh,
        compiler_params=pltpu.CompilerParams(needs_layout_passes=False),
        scratch_types=[
            pltpu.VMEM((chunk,), jnp.int32),
            pltpu.VMEM((chunk,), jnp.int32),
            pltpu.VMEM((chunk,), jnp.int32),
            pltpu.VMEM((num_entities,), jnp.float32),
            pltpu.VMEM((num_relations,), jnp.float32),
            pltpu.VMEM((_ROWS, _LANES), jnp.float32),
            pltpu.VMEM((_ROWS,), jnp.int32),
            pltpu.VMEM_SHARED((_ROWS, _LANES), jnp.float32),
            pltpu.SemaphoreType.DMA,
            pltpu.SemaphoreType.DMA,
        ],
    )
    def mp_kernel(idx_hbm, rel_hbm, ent_hbm, ps_hbm, out_hbm,
                  rows_v, cols_v, rel_v, ent_v, ps_v, acc_v, rowids_v,
                  shared_acc, sem0, sem1):
        cid = lax.axis_index("c")
        sid = lax.axis_index("s")
        wid = cid * _NS + sid
        base = wid * chunk
        half = chunk // 2

        copies0 = [
            pltpu.async_copy(idx_hbm.at[pl.ds(base, half)], rows_v.at[pl.ds(0, half)], sem0),
            pltpu.async_copy(idx_hbm.at[pl.ds(num_edges + base, half)],
                             cols_v.at[pl.ds(0, half)], sem0),
            pltpu.async_copy(rel_hbm.at[pl.ds(base, half)], rel_v.at[pl.ds(0, half)], sem0),
            pltpu.async_copy(ent_hbm, ent_v, sem0),
            pltpu.async_copy(ps_hbm, ps_v, sem0),
        ]
        copies1 = [
            pltpu.async_copy(idx_hbm.at[pl.ds(base + half, half)],
                             rows_v.at[pl.ds(half, half)], sem1),
            pltpu.async_copy(idx_hbm.at[pl.ds(num_edges + base + half, half)],
                             cols_v.at[pl.ds(half, half)], sem1),
            pltpu.async_copy(rel_hbm.at[pl.ds(base + half, half)],
                             rel_v.at[pl.ds(half, half)], sem1),
        ]

        zeros16 = jnp.zeros((_L,), jnp.float32)

        @plsc.parallel_loop(0, _ROWS, 1, unroll=2)
        def _(rrow):
            for kk in range(_LANES // _L):
                acc_v[rrow, pl.ds(kk * _L, _L)] = zeros16

        for kk in range(_ROWS // _L):
            rowids_v[pl.ds(kk * _L, _L)] = (
                lax.iota(jnp.int32, _L) + jnp.int32(kk * _L))

        @pl.when(sid == 0)
        def _():
            pltpu.sync_copy(acc_v, shared_acc)

        def edge_loop(g_lo, g_hi):
            @plsc.parallel_loop(g_lo, g_hi, 1, unroll=16)
            def _(i):
                off = i * _L
                r = rows_v[pl.ds(off, _L)]
                c = cols_v[pl.ds(off, _L)]
                m = rel_v[pl.ds(off, _L)]
                p = plsc.load_gather(ps_v, [m])
                e = plsc.load_gather(ent_v, [r])
                cf = c.astype(jnp.float32)
                q = (cf * jnp.float32(1.0 / num_entities)).astype(jnp.int32)
                j = c - q * num_entities
                j = jnp.where(j >= num_entities, j - num_entities, j)
                hi = lax.shift_right_logical(j, 7)
                lo = lax.bitwise_and(j, _LANES - 1)
                plsc.addupdate_scatter(acc_v, [hi, lo], p * e)

        for c in copies0:
            c.wait()
        edge_loop(0, groups // 2)
        for c in copies1:
            c.wait()
        edge_loop(groups // 2, groups)

        plsc.subcore_barrier()
        pltpu.sync_copy(acc_v, shared_acc.at[rowids_v], add=True)
        plsc.subcore_barrier()

        @pl.when(sid == 0)
        def _():
            pltpu.sync_copy(shared_acc, out_hbm.at[cid])

    return mp_kernel


def kernel(p_scores, indices, relation_mask, entities):
    num_entities = entities.shape[0]
    num_relations = p_scores.shape[0]
    num_edges = indices.shape[1]

    ent_flat = entities.reshape(num_entities)

    sc_call = _build_sc_call(num_entities, num_relations, num_edges)
    partials = sc_call(indices.reshape(2 * num_edges), relation_mask,
                       ent_flat, p_scores)
    y = partials.sum(axis=0).reshape(_ROWS * _LANES)[:num_entities]
    return (y, num_entities)

# --- scband reference (transcript-rebuilt; emitter-appended) ---
"""Pipeline reference for scband-mplayer-76424648065686 (READ-ONLY COPY).

The authoritative reference and input builder live on the scoring server;
editing this copy changes nothing except your own understanding.
"""

import jax, jax.numpy as jnp
import numpy as np

NE = 10000
NR = 256
E = 640000


def setup_inputs(seed: int = 0) -> dict:
    key = jax.random.key(seed)
    k1, k2, k3, k4, k5 = jax.random.split(key, 5)
    p_scores = jax.random.normal(k1, (NR,), dtype=jnp.float32)
    rows = jax.random.randint(k2, (E,), 0, NE, dtype=jnp.int32)
    cols = jax.random.randint(k3, (E,), 0, NE * NR, dtype=jnp.int32)
    indices = jnp.stack([rows, cols], axis=0)
    relation_mask = jax.random.randint(k4, (E,), 0, NR, dtype=jnp.int32)
    entities = jax.random.normal(k5, (NE, 1), dtype=jnp.float32)
    return {
        "p_scores": p_scores,
        "indices": indices,
        "relation_mask": relation_mask,
        "entities": entities,
    }


def reference(p_scores, indices, relation_mask, entities):
    num_entities = entities.shape[0]
    num_relations = p_scores.shape[0]
    # p_scores.gather(0, relation_mask)
    p = jnp.take(p_scores, relation_mask, axis=0)  # [E]
    # sparse matrix S of size (NE, NE*NR) with values p at (indices[0], indices[1]);
    # y = S.t() @ entities  (entities is [NE, 1]) -> [NE*NR, 1]
    # value accumulated at column c: sum over edges e with col[e]==c of p[e] * entities[row[e], 0]
    vals = p * jnp.take(entities[:, 0], indices[0], axis=0)  # [E]
    y_flat = jax.ops.segment_sum(vals, indices[1], num_segments=num_entities * num_relations)
    y = y_flat.reshape(num_relations, num_entities).sum(axis=0)
    return (y, num_entities)

if __name__ == "__main__":
    import jax
    _d = setup_inputs()
    print(jax.jit(kernel)(*tuple(_d.values())))

</pallas_src>

<mosaic_0001>
#map = affine_map<(d0, d1) -> (0)>
#map1 = affine_map<(d0, d1) -> (0, 0, 0)>
module attributes {stable_mosaic.version = 14 : i64} {
  func.func @mp_kernel(%arg0: i32, %arg1: i32, %arg2: memref<1280000xi32, #tpu.memory_space<hbm>>, %arg3: memref<640000xi32, #tpu.memory_space<hbm>>, %arg4: memref<10000xf32, #tpu.memory_space<hbm>>, %arg5: memref<256xf32, #tpu.memory_space<hbm>>, %arg6: memref<2x80x128xf32, #tpu.memory_space<hbm>>, %arg7: memref<20000xi32, #tpu.memory_space<vmem>>, %arg8: memref<20000xi32, #tpu.memory_space<vmem>>, %arg9: memref<20000xi32, #tpu.memory_space<vmem>>, %arg10: memref<10000xf32, #tpu.memory_space<vmem>>, %arg11: memref<256xf32, #tpu.memory_space<vmem>>, %arg12: memref<80x128xf32, #tpu.memory_space<vmem>>, %arg13: memref<80xi32, #tpu.memory_space<vmem>>, %arg14: memref<80x128xf32, #tpu.memory_space<vmem_shared>>, %arg15: memref<!tpu.dma_semaphore, #tpu.memory_space<semaphore_mem>>, %arg16: memref<!tpu.dma_semaphore, #tpu.memory_space<semaphore_mem>>) attributes {dimension_semantics = [#tpu.dimension_semantics<core_parallel>, #tpu.dimension_semantics<subcore_parallel>], iteration_bounds = array<i64: 2, 16>, scalar_prefetch = 0 : i64, scratch_operands = 10 : i64, tpu.core_type = #tpu.core_type<sc_vector_subcore>, window_params = [{transform_indices = #map}, {transform_indices = #map}, {transform_indices = #map}, {transform_indices = #map}, {transform_indices = #map1}]} {
    %mul3A = arith.constant 16 : i32
    %mul3A_0 = arith.muli %arg0, %mul3A : i32
    %add3A = arith.addi %mul3A_0, %arg1 : i32
    %mul3A_1 = arith.constant 20000 : i32
    %mul3A_2 = arith.muli %add3A, %mul3A_1 : i32
    %dma_start3A = arith.constant 0 : i32
    %dma_start3A_3 = tpu.memref_slice %arg7[%dma_start3A] : memref<20000xi32, #tpu.memory_space<vmem>> -> memref<10000xi32, #tpu.memory_space<vmem>>
    %dma_start3A_4 = tpu.memref_slice %arg2[%mul3A_2] : memref<1280000xi32, #tpu.memory_space<hbm>> -> memref<10000xi32, #tpu.memory_space<hbm>>
    %dma_start3A_5 = arith.constant 0 : i32
    %dma_start3A_6 = tpu.memref_slice %arg7[%dma_start3A_5] : memref<20000xi32, #tpu.memory_space<vmem>> -> memref<10000xi32, #tpu.memory_space<vmem>>
    %dma_start3A_7 = tpu.memref_slice %arg2[%mul3A_2] : memref<1280000xi32, #tpu.memory_space<hbm>> -> memref<10000xi32, #tpu.memory_space<hbm>>
    tpu.enqueue_dma source(%dma_start3A_7 : memref<10000xi32, #tpu.memory_space<hbm>>) target(%dma_start3A_6 : memref<10000xi32, #tpu.memory_space<vmem>>) target_semaphore(%arg15 : memref<!tpu.dma_semaphore, #tpu.memory_space<semaphore_mem>>)
    %add3A_8 = arith.constant 640000 : i32
    %add3A_9 = arith.addi %add3A_8, %mul3A_2 : i32
    %dma_start3A_10 = arith.constant 0 : i32
    %dma_start3A_11 = tpu.memref_slice %arg8[%dma_start3A_10] : memref<20000xi32, #tpu.memory_space<vmem>> -> memref<10000xi32, #tpu.memory_space<vmem>>
    %dma_start3A_12 = tpu.memref_slice %arg2[%add3A_9] : memref<1280000xi32, #tpu.memory_space<hbm>> -> memref<10000xi32, #tpu.memory_space<hbm>>
    %dma_start3A_13 = arith.constant 0 : i32
    %dma_start3A_14 = tpu.memref_slice %arg8[%dma_start3A_13] : memref<20000xi32, #tpu.memory_space<vmem>> -> memref<10000xi32, #tpu.memory_space<vmem>>
    %dma_start3A_15 = tpu.memref_slice %arg2[%add3A_9] : memref<1280000xi32, #tpu.memory_space<hbm>> -> memref<10000xi32, #tpu.memory_space<hbm>>
    tpu.enqueue_dma source(%dma_start3A_15 : memref<10000xi32, #tpu.memory_space<hbm>>) target(%dma_start3A_14 : memref<10000xi32, #tpu.memory_space<vmem>>) target_semaphore(%arg15 : memref<!tpu.dma_semaphore, #tpu.memory_space<semaphore_mem>>)
    %dma_start3A_16 = arith.constant 0 : i32
    %dma_start3A_17 = tpu.memref_slice %arg9[%dma_start3A_16] : memref<20000xi32, #tpu.memory_space<vmem>> -> memref<10000xi32, #tpu.memory_space<vmem>>
    %dma_start3A_18 = tpu.memref_slice %arg3[%mul3A_2] : memref<640000xi32, #tpu.memory_space<hbm>> -> memref<10000xi32, #tpu.memory_space<hbm>>
    %dma_start3A_19 = arith.constant 0 : i32
    %dma_start3A_20 = tpu.memref_slice %arg9[%dma_start3A_19] : memref<20000xi32, #tpu.memory_space<vmem>> -> memref<10000xi32, #tpu.memory_space<vmem>>
    %dma_start3A_21 = tpu.memref_slice %arg3[%mul3A_2] : memref<640000xi32, #tpu.memory_space<hbm>> -> memref<10000xi32, #tpu.memory_space<hbm>>
    tpu.enqueue_dma source(%dma_start3A_21 : memref<10000xi32, #tpu.memory_space<hbm>>) target(%dma_start3A_20 : memref<10000xi32, #tpu.memory_space<vmem>>) target_semaphore(%arg15 : memref<!tpu.dma_semaphore, #tpu.memory_space<semaphore_mem>>)
    tpu.enqueue_dma source(%arg4 : memref<10000xf32, #tpu.memory_space<hbm>>) target(%arg10 : memref<10000xf32, #tpu.memory_space<vmem>>) target_semaphore(%arg15 : memref<!tpu.dma_semaphore, #tpu.memory_space<semaphore_mem>>)
    tpu.enqueue_dma source(%arg5 : memref<256xf32, #tpu.memory_space<hbm>>) target(%arg11 : memref<256xf32, #tpu.memory_space<vmem>>) target_semaphore(%arg15 : memref<!tpu.dma_semaphore, #tpu.memory_space<semaphore_mem>>)
    %add3A_22 = arith.constant 10000 : i32
    %add3A_23 = arith.addi %mul3A_2, %add3A_22 : i32
    %dma_start3A_24 = arith.constant 10000 : i32
    %dma_start3A_25 = tpu.memref_slice %arg7[%dma_start3A_24] : memref<20000xi32, #tpu.memory_space<vmem>> -> memref<10000xi32, #tpu.memory_space<vmem>>
    %dma_start3A_26 = tpu.memref_slice %arg2[%add3A_23] : memref<1280000xi32, #tpu.memory_space<hbm>> -> memref<10000xi32, #tpu.memory_space<hbm>>
    %dma_start3A_27 = arith.constant 10000 : i32
    %dma_start3A_28 = tpu.memref_slice %arg7[%dma_start3A_27] : memref<20000xi32, #tpu.memory_space<vmem>> -> memref<10000xi32, #tpu.memory_space<vmem>>
    %dma_start3A_29 = tpu.memref_slice %arg2[%add3A_23] : memref<1280000xi32, #tpu.memory_space<hbm>> -> memref<10000xi32, #tpu.memory_space<hbm>>
    tpu.enqueue_dma source(%dma_start3A_29 : memref<10000xi32, #tpu.memory_space<hbm>>) target(%dma_start3A_28 : memref<10000xi32, #tpu.memory_space<vmem>>) target_semaphore(%arg16 : memref<!tpu.dma_semaphore, #tpu.memory_space<semaphore_mem>>)
    %add3A_30 = arith.constant 640000 : i32
    %add3A_31 = arith.addi %add3A_30, %mul3A_2 : i32
    %add3A_32 = arith.constant 10000 : i32
    %add3A_33 = arith.addi %add3A_31, %add3A_32 : i32
    %dma_start3A_34 = arith.constant 10000 : i32
    %dma_start3A_35 = tpu.memref_slice %arg8[%dma_start3A_34] : memref<20000xi32, #tpu.memory_space<vmem>> -> memref<10000xi32, #tpu.memory_space<vmem>>
    %dma_start3A_36 = tpu.memref_slice %arg2[%add3A_33] : memref<1280000xi32, #tpu.memory_space<hbm>> -> memref<10000xi32, #tpu.memory_space<hbm>>
    %dma_start3A_37 = arith.constant 10000 : i32
    %dma_start3A_38 = tpu.memref_slice %arg8[%dma_start3A_37] : memref<20000xi32, #tpu.memory_space<vmem>> -> memref<10000xi32, #tpu.memory_space<vmem>>
    %dma_start3A_39 = tpu.memref_slice %arg2[%add3A_33] : memref<1280000xi32, #tpu.memory_space<hbm>> -> memref<10000xi32, #tpu.memory_space<hbm>>
    tpu.enqueue_dma source(%dma_start3A_39 : memref<10000xi32, #tpu.memory_space<hbm>>) target(%dma_start3A_38 : memref<10000xi32, #tpu.memory_space<vmem>>) target_semaphore(%arg16 : memref<!tpu.dma_semaphore, #tpu.memory_space<semaphore_mem>>)
    %add3A_40 = arith.constant 10000 : i32
    %add3A_41 = arith.addi %mul3A_2, %add3A_40 : i32
    %dma_start3A_42 = arith.constant 10000 : i32
    %dma_start3A_43 = tpu.memref_slice %arg9[%dma_start3A_42] : memref<20000xi32, #tpu.memory_space<vmem>> -> memref<10000xi32, #tpu.memory_space<vmem>>
    %dma_start3A_44 = tpu.memref_slice %arg3[%add3A_41] : memref<640000xi32, #tpu.memory_space<hbm>> -> memref<10000xi32, #tpu.memory_space<hbm>>
    %dma_start3A_45 = arith.constant 10000 : i32
    %dma_start3A_46 = tpu.memref_slice %arg9[%dma_start3A_45] : memref<20000xi32, #tpu.memory_space<vmem>> -> memref<10000xi32, #tpu.memory_space<vmem>>
    %dma_start3A_47 = tpu.memref_slice %arg3[%add3A_41] : memref<640000xi32, #tpu.memory_space<hbm>> -> memref<10000xi32, #tpu.memory_space<hbm>>
    tpu.enqueue_dma source(%dma_start3A_47 : memref<10000xi32, #tpu.memory_space<hbm>>) target(%dma_start3A_46 : memref<10000xi32, #tpu.memory_space<vmem>>) target_semaphore(%arg16 : memref<!tpu.dma_semaphore, #tpu.memory_space<semaphore_mem>>)
    %broadcast_in_dim3A = arith.constant 0.000000e+00 : f32
    %broadcast_in_dim3A_48 = vector.broadcast %broadcast_in_dim3A : f32 to vector<16xf32>
    %parallel_loop3A = arith.constant 0 : i32
    %parallel_loop3A_49 = arith.constant 80 : i32
    %parallel_loop3A_50 = arith.constant 1 : i32
    scf.for %parallel_loop3A_128 = %parallel_loop3A to %parallel_loop3A_49 step %parallel_loop3A_50  : i32 {
      %parallel_loop3A_129 = arith.index_cast %parallel_loop3A_128 : i32 to index
      %parallel_loop3A_130 = arith.constant 0 : index
      %parallel_loop3A_131 = tpu.vector_load %arg12[%parallel_loop3A_129, %parallel_loop3A_130] {strides = array<i32>} : memref<80x128xf32, #tpu.memory_space<vmem>>, vector<16xf32>,
      tpu.vector_store %arg12[%parallel_loop3A_129, %parallel_loop3A_130], %broadcast_in_dim3A_48 {strides = array<i32>} : memref<80x128xf32, #tpu.memory_space<vmem>>, vector<16xf32>,
      %parallel_loop3A_132 = arith.index_cast %parallel_loop3A_128 : i32 to index
      %parallel_loop3A_133 = arith.constant 16 : index
      %parallel_loop3A_134 = tpu.vector_load %arg12[%parallel_loop3A_132, %parallel_loop3A_133] {strides = array<i32>} : memref<80x128xf32, #tpu.memory_space<vmem>>, vector<16xf32>,
      tpu.vector_store %arg12[%parallel_loop3A_132, %parallel_loop3A_133], %broadcast_in_dim3A_48 {strides = array<i32>} : memref<80x128xf32, #tpu.memory_space<vmem>>, vector<16xf32>,
      %parallel_loop3A_135 = arith.index_cast %parallel_loop3A_128 : i32 to index
      %parallel_loop3A_136 = arith.constant 32 : index
      %parallel_loop3A_137 = tpu.vector_load %arg12[%parallel_loop3A_135, %parallel_loop3A_136] {strides = array<i32>} : memref<80x128xf32, #tpu.memory_space<vmem>>, vector<16xf32>,
      tpu.vector_store %arg12[%parallel_loop3A_135, %parallel_loop3A_136], %broadcast_in_dim3A_48 {strides = array<i32>} : memref<80x128xf32, #tpu.memory_space<vmem>>, vector<16xf32>,
      %parallel_loop3A_138 = arith.index_cast %parallel_loop3A_128 : i32 to index
      %parallel_loop3A_139 = arith.constant 48 : index
      %parallel_loop3A_140 = tpu.vector_load %arg12[%parallel_loop3A_138, %parallel_loop3A_139] {strides = array<i32>} : memref<80x128xf32, #tpu.memory_space<vmem>>, vector<16xf32>,
      tpu.vector_store %arg12[%parallel_loop3A_138, %parallel_loop3A_139], %broadcast_in_dim3A_48 {strides = array<i32>} : memref<80x128xf32, #tpu.memory_space<vmem>>, vector<16xf32>,
      %parallel_loop3A_141 = arith.index_cast %parallel_loop3A_128 : i32 to index
      %parallel_loop3A_142 = arith.constant 64 : index
      %parallel_loop3A_143 = tpu.vector_load %arg12[%parallel_loop3A_141, %parallel_loop3A_142] {strides = array<i32>} : memref<80x128xf32, #tpu.memory_space<vmem>>, vector<16xf32>,
      tpu.vector_store %arg12[%parallel_loop3A_141, %parallel_loop3A_142], %broadcast_in_dim3A_48 {strides = array<i32>} : memref<80x128xf32, #tpu.memory_space<vmem>>, vector<16xf32>,
      %parallel_loop3A_144 = arith.index_cast %parallel_loop3A_128 : i32 to index
      %parallel_loop3A_145 = arith.constant 80 : index
      %parallel_loop3A_146 = tpu.vector_load %arg12[%parallel_loop3A_144, %parallel_loop3A_145] {strides = array<i32>} : memref<80x128xf32, #tpu.memory_space<vmem>>, vector<16xf32>,
      tpu.vector_store %arg12[%parallel_loop3A_144, %parallel_loop3A_145], %broadcast_in_dim3A_48 {strides = array<i32>} : memref<80x128xf32, #tpu.memory_space<vmem>>, vector<16xf32>,
      %parallel_loop3A_147 = arith.index_cast %parallel_loop3A_128 : i32 to index
      %parallel_loop3A_148 = arith.constant 96 : index
      %parallel_loop3A_149 = tpu.vector_load %arg12[%parallel_loop3A_147, %parallel_loop3A_148] {strides = array<i32>} : memref<80x128xf32, #tpu.memory_space<vmem>>, vector<16xf32>,
      tpu.vector_store %arg12[%parallel_loop3A_147, %parallel_loop3A_148], %broadcast_in_dim3A_48 {strides = array<i32>} : memref<80x128xf32, #tpu.memory_space<vmem>>, vector<16xf32>,
      %parallel_loop3A_150 = arith.index_cast %parallel_loop3A_128 : i32 to index
      %parallel_loop3A_151 = arith.constant 112 : index
      %parallel_loop3A_152 = tpu.vector_load %arg12[%parallel_loop3A_150, %parallel_loop3A_151] {strides = array<i32>} : memref<80x128xf32, #tpu.memory_space<vmem>>, vector<16xf32>,
      tpu.vector_store %arg12[%parallel_loop3A_150, %parallel_loop3A_151], %broadcast_in_dim3A_48 {strides = array<i32>} : memref<80x128xf32, #tpu.memory_space<vmem>>, vector<16xf32>,
    } {sc.loop_unroll_factor = 2 : i64, sc.parallel_access}
    %iota3A = tpu.iota {dimensions = array<i32: 0>} : vector<16xi32>
    %add3A_51 = arith.constant 0 : i32
    %add3A_52 = vector.broadcast %add3A_51 : i32 to vector<16xi32>
    %add3A_53 = arith.addi %iota3A, %add3A_52 : vector<16xi32>
    %swap3A = arith.constant 0 : index
    %swap3A_54 = tpu.vector_load %arg13[%swap3A] {strides = array<i32>} : memref<80xi32, #tpu.memory_space<vmem>>, vector<16xi32>,
    tpu.vector_store %arg13[%swap3A], %add3A_53 {strides = array<i32>} : memref<80xi32, #tpu.memory_space<vmem>>, vector<16xi32>,
    %iota3A_55 = tpu.iota {dimensions = array<i32: 0>} : vector<16xi32>
    %add3A_56 = arith.constant 16 : i32
    %add3A_57 = vector.broadcast %add3A_56 : i32 to vector<16xi32>
    %add3A_58 = arith.addi %iota3A_55, %add3A_57 : vector<16xi32>
    %swap3A_59 = arith.constant 16 : index
    %swap3A_60 = tpu.vector_load %arg13[%swap3A_59] {strides = array<i32>} : memref<80xi32, #tpu.memory_space<vmem>>, vector<16xi32>,
    tpu.vector_store %arg13[%swap3A_59], %add3A_58 {strides = array<i32>} : memref<80xi32, #tpu.memory_space<vmem>>, vector<16xi32>,
    %iota3A_61 = tpu.iota {dimensions = array<i32: 0>} : vector<16xi32>
    %add3A_62 = arith.constant 32 : i32
    %add3A_63 = vector.broadcast %add3A_62 : i32 to vector<16xi32>
    %add3A_64 = arith.addi %iota3A_61, %add3A_63 : vector<16xi32>
    %swap3A_65 = arith.constant 32 : index
    %swap3A_66 = tpu.vector_load %arg13[%swap3A_65] {strides = array<i32>} : memref<80xi32, #tpu.memory_space<vmem>>, vector<16xi32>,
    tpu.vector_store %arg13[%swap3A_65], %add3A_64 {strides = array<i32>} : memref<80xi32, #tpu.memory_space<vmem>>, vector<16xi32>,
    %iota3A_67 = tpu.iota {dimensions = array<i32: 0>} : vector<16xi32>
    %add3A_68 = arith.constant 48 : i32
    %add3A_69 = vector.broadcast %add3A_68 : i32 to vector<16xi32>
    %add3A_70 = arith.addi %iota3A_67, %add3A_69 : vector<16xi32>
    %swap3A_71 = arith.constant 48 : index
    %swap3A_72 = tpu.vector_load %arg13[%swap3A_71] {strides = array<i32>} : memref<80xi32, #tpu.memory_space<vmem>>, vector<16xi32>,
    tpu.vector_store %arg13[%swap3A_71], %add3A_70 {strides = array<i32>} : memref<80xi32, #tpu.memory_space<vmem>>, vector<16xi32>,
    %iota3A_73 = tpu.iota {dimensions = array<i32: 0>} : vector<16xi32>
    %add3A_74 = arith.constant 64 : i32
    %add3A_75 = vector.broadcast %add3A_74 : i32 to vector<16xi32>
    %add3A_76 = arith.addi %iota3A_73, %add3A_75 : vector<16xi32>
    %swap3A_77 = arith.constant 64 : index
    %swap3A_78 = tpu.vector_load %arg13[%swap3A_77] {strides = array<i32>} : memref<80xi32, #tpu.memory_space<vmem>>, vector<16xi32>,
    tpu.vector_store %arg13[%swap3A_77], %add3A_76 {strides = array<i32>} : memref<80xi32, #tpu.memory_space<vmem>>, vector<16xi32>,
    %eq3A = arith.constant 0 : i32
    %eq3A_79 = arith.cmpi eq, %arg1, %eq3A : i32
    %convert_element_type3A = arith.extui %eq3A_79 : i1 to i32
    %cond3A = arith.constant 0 : i32
    %cond3A_80 = arith.cmpi ne, %convert_element_type3A, %cond3A : i32
    scf.if %cond3A_80 {
      "tpu.region"() ({
        %run_scoped3A = tpu.sem_alloc : memref<!tpu.dma_semaphore, #tpu.memory_space<semaphore_mem>>
        tpu.enqueue_dma source(%arg12 : memref<80x128xf32, #tpu.memory_space<vmem>>) target(%arg14 : memref<80x128xf32, #tpu.memory_space<vmem_shared>>) target_semaphore(%run_scoped3A : memref<!tpu.dma_semaphore, #tpu.memory_space<semaphore_mem>>)
        tpu.wait_dma2 semaphore(%run_scoped3A : memref<!tpu.dma_semaphore, #tpu.memory_space<semaphore_mem>>) src(%arg12 : memref<80x128xf32, #tpu.memory_space<vmem>>) dst(%arg14 : memref<80x128xf32, #tpu.memory_space<vmem_shared>>)
        tpu.yield
      }) : () -> ()
    } else {
    }
    %dma_wait3A = arith.constant 0 : i32
    %dma_wait3A_81 = tpu.memref_slice %arg7[%dma_wait3A] : memref<20000xi32, #tpu.memory_space<vmem>> -> memref<10000xi32, #tpu.memory_space<vmem>>
    %dma_wait3A_82 = tpu.memref_slice %arg2[%mul3A_2] : memref<1280000xi32, #tpu.memory_space<hbm>> -> memref<10000xi32, #tpu.memory_space<hbm>>
    %dma_wait3A_83 = arith.constant 0 : i32
    %dma_wait3A_84 = tpu.memref_slice %arg7[%dma_wait3A_83] : memref<20000xi32, #tpu.memory_space<vmem>> -> memref<10000xi32, #tpu.memory_space<vmem>>
    %dma_wait3A_85 = tpu.memref_slice %arg2[%mul3A_2] : memref<1280000xi32, #tpu.memory_space<hbm>> -> memref<10000xi32, #tpu.memory_space<hbm>>
    tpu.wait_dma2 semaphore(%arg15 : memref<!tpu.dma_semaphore, #tpu.memory_space<semaphore_mem>>) src(%dma_wait3A_85 : memref<10000xi32, #tpu.memory_space<hbm>>) dst(%dma_wait3A_84 : memref<10000xi32, #tpu.memory_space<vmem>>)
    %dma_wait3A_86 = arith.constant 0 : i32
    %dma_wait3A_87 = tpu.memref_slice %arg8[%dma_wait3A_86] : memref<20000xi32, #tpu.memory_space<vmem>> -> memref<10000xi32, #tpu.memory_space<vmem>>
    %dma_wait3A_88 = tpu.memref_slice %arg2[%add3A_9] : memref<1280000xi32, #tpu.memory_space<hbm>> -> memref<10000xi32, #tpu.memory_space<hbm>>
    %dma_wait3A_89 = arith.constant 0 : i32
    %dma_wait3A_90 = tpu.memref_slice %arg8[%dma_wait3A_89] : memref<20000xi32, #tpu.memory_space<vmem>> -> memref<10000xi32, #tpu.memory_space<vmem>>
    %dma_wait3A_91 = tpu.memref_slice %arg2[%add3A_9] : memref<1280000xi32, #tpu.memory_space<hbm>> -> memref<10000xi32, #tpu.memory_space<hbm>>
    tpu.wait_dma2 semaphore(%arg15 : memref<!tpu.dma_semaphore, #tpu.memory_space<semaphore_mem>>) src(%dma_wait3A_91 : memref<10000xi32, #tpu.memory_space<hbm>>) dst(%dma_wait3A_90 : memref<10000xi32, #tpu.memory_space<vmem>>)
    %dma_wait3A_92 = arith.constant 0 : i32
    %dma_wait3A_93 = tpu.memref_slice %arg9[%dma_wait3A_92] : memref<20000xi32, #tpu.memory_space<vmem>> -> memref<10000xi32, #tpu.memory_space<vmem>>
    %dma_wait3A_94 = tpu.memref_slice %arg3[%mul3A_2] : memref<640000xi32, #tpu.memory_space<hbm>> -> memref<10000xi32, #tpu.memory_space<hbm>>
    %dma_wait3A_95 = arith.constant 0 : i32
    %dma_wait3A_96 = tpu.memref_slice %arg9[%dma_wait3A_95] : memref<20000xi32, #tpu.memory_space<vmem>> -> memref<10000xi32, #tpu.memory_space<vmem>>
    %dma_wait3A_97 = tpu.memref_slice %arg3[%mul3A_2] : memref<640000xi32, #tpu.memory_space<hbm>> -> memref<10000xi32, #tpu.memory_space<hbm>>
    tpu.wait_dma2 semaphore(%arg15 : memref<!tpu.dma_semaphore, #tpu.memory_space<semaphore_mem>>) src(%dma_wait3A_97 : memref<10000xi32, #tpu.memory_space<hbm>>) dst(%dma_wait3A_96 : memref<10000xi32, #tpu.memory_space<vmem>>)
    tpu.wait_dma2 semaphore(%arg15 : memref<!tpu.dma_semaphore, #tpu.memory_space<semaphore_mem>>) src(%arg4 : memref<10000xf32, #tpu.memory_space<hbm>>) dst(%arg10 : memref<10000xf32, #tpu.memory_space<vmem>>)
    tpu.wait_dma2 semaphore(%arg15 : memref<!tpu.dma_semaphore, #tpu.memory_space<semaphore_mem>>) src(%arg5 : memref<256xf32, #tpu.memory_space<hbm>>) dst(%arg11 : memref<256xf32, #tpu.memory_space<vmem>>)
    %parallel_loop3A_98 = arith.constant 0 : i32
    %parallel_loop3A_99 = arith.constant 625 : i32
    %parallel_loop3A_100 = arith.constant 1 : i32
    scf.for %parallel_loop3A_128 = %parallel_loop3A_98 to %parallel_loop3A_99 step %parallel_loop3A_100  : i32 {
      %parallel_loop3A_129 = arith.constant 16 : i32
      %parallel_loop3A_130 = arith.muli %parallel_loop3A_128, %parallel_loop3A_129 : i32
      %parallel_loop3A_131 = arith.index_cast %parallel_loop3A_130 : i32 to index
      %parallel_loop3A_132 = tpu.vector_load %arg7[%parallel_loop3A_131] {strides = array<i32>} : memref<20000xi32, #tpu.memory_space<vmem>>, vector<16xi32>,
      %parallel_loop3A_133 = arith.index_cast %parallel_loop3A_130 : i32 to index
      %parallel_loop3A_134 = tpu.vector_load %arg8[%parallel_loop3A_133] {strides = array<i32>} : memref<20000xi32, #tpu.memory_space<vmem>>, vector<16xi32>,
      %parallel_loop3A_135 = arith.index_cast %parallel_loop3A_130 : i32 to index
      %parallel_loop3A_136 = tpu.vector_load %arg9[%parallel_loop3A_135] {strides = array<i32>} : memref<20000xi32, #tpu.memory_space<vmem>>, vector<16xi32>,
      %parallel_loop3A_137 = tpu.vector_load_idx %arg11[%parallel_loop3A_136] : memref<256xf32, #tpu.memory_space<vmem>>[vector<16xi32>], vector<16xf32>,
      %parallel_loop3A_138 = tpu.vector_load_idx %arg10[%parallel_loop3A_132] : memref<10000xf32, #tpu.memory_space<vmem>>[vector<16xi32>], vector<16xf32>,
      %parallel_loop3A_139 = arith.sitofp %parallel_loop3A_134 : vector<16xi32> to vector<16xf32>
      %parallel_loop3A_140 = arith.constant 9.99999974E-5 : f32
      %parallel_loop3A_141 = vector.broadcast %parallel_loop3A_140 : f32 to vector<16xf32>
      %parallel_loop3A_142 = arith.mulf %parallel_loop3A_139, %parallel_loop3A_141 : vector<16xf32>
      %parallel_loop3A_143 = arith.fptosi %parallel_loop3A_142 : vector<16xf32> to vector<16xi32>
      %parallel_loop3A_144 = arith.constant 10000 : i32
      %parallel_loop3A_145 = vector.broadcast %parallel_loop3A_144 : i32 to vector<16xi32>
      %parallel_loop3A_146 = arith.muli %parallel_loop3A_143, %parallel_loop3A_145 : vector<16xi32>
      %parallel_loop3A_147 = arith.subi %parallel_loop3A_134, %parallel_loop3A_146 : vector<16xi32>
      %parallel_loop3A_148 = arith.constant 10000 : i32
      %parallel_loop3A_149 = vector.broadcast %parallel_loop3A_148 : i32 to vector<16xi32>
      %parallel_loop3A_150 = arith.cmpi sge, %parallel_loop3A_147, %parallel_loop3A_149 : vector<16xi32>
      %parallel_loop3A_151 = arith.constant 10000 : i32
      %parallel_loop3A_152 = vector.broadcast %parallel_loop3A_151 : i32 to vector<16xi32>
      %parallel_loop3A_153 = arith.subi %parallel_loop3A_147, %parallel_loop3A_152 : vector<16xi32>
      %parallel_loop3A_154 = arith.select %parallel_loop3A_150, %parallel_loop3A_153, %parallel_loop3A_147 : vector<16xi1>, vector<16xi32>
      %parallel_loop3A_155 = arith.constant 7 : i32
      %parallel_loop3A_156 = vector.broadcast %parallel_loop3A_155 : i32 to vector<16xi32>
      %parallel_loop3A_157 = arith.shrui %parallel_loop3A_154, %parallel_loop3A_156 : vector<16xi32>
      %parallel_loop3A_158 = arith.constant 127 : i32
      %parallel_loop3A_159 = vector.broadcast %parallel_loop3A_158 : i32 to vector<16xi32>
      %parallel_loop3A_160 = arith.andi %parallel_loop3A_154, %parallel_loop3A_159 : vector<16xi32>
      %parallel_loop3A_161 = arith.mulf %parallel_loop3A_137, %parallel_loop3A_138 : vector<16xf32>
      tpu.vector_store_idx %arg12[%parallel_loop3A_157, %parallel_loop3A_160], %parallel_loop3A_161 {add = true} : memref<80x128xf32, #tpu.memory_space<vmem>>[vector<16xi32>, vector<16xi32>], vector<16xf32>,
    } {sc.loop_unroll_factor = 16 : i64, sc.parallel_access}
    %dma_wait3A_101 = arith.constant 10000 : i32
    %dma_wait3A_102 = tpu.memref_slice %arg7[%dma_wait3A_101] : memref<20000xi32, #tpu.memory_space<vmem>> -> memref<10000xi32, #tpu.memory_space<vmem>>
    %dma_wait3A_103 = tpu.memref_slice %arg2[%add3A_23] : memref<1280000xi32, #tpu.memory_space<hbm>> -> memref<10000xi32, #tpu.memory_space<hbm>>
    %dma_wait3A_104 = arith.constant 10000 : i32
    %dma_wait3A_105 = tpu.memref_slice %arg7[%dma_wait3A_104] : memref<20000xi32, #tpu.memory_space<vmem>> -> memref<10000xi32, #tpu.memory_space<vmem>>
    %dma_wait3A_106 = tpu.memref_slice %arg2[%add3A_23] : memref<1280000xi32, #tpu.memory_space<hbm>> -> memref<10000xi32, #tpu.memory_space<hbm>>
    tpu.wait_dma2 semaphore(%arg16 : memref<!tpu.dma_semaphore, #tpu.memory_space<semaphore_mem>>) src(%dma_wait3A_106 : memref<10000xi32, #tpu.memory_space<hbm>>) dst(%dma_wait3A_105 : memref<10000xi32, #tpu.memory_space<vmem>>)
    %dma_wait3A_107 = arith.constant 10000 : i32
    %dma_wait3A_108 = tpu.memref_slice %arg8[%dma_wait3A_107] : memref<20000xi32, #tpu.memory_space<vmem>> -> memref<10000xi32, #tpu.memory_space<vmem>>
    %dma_wait3A_109 = tpu.memref_slice %arg2[%add3A_33] : memref<1280000xi32, #tpu.memory_space<hbm>> -> memref<10000xi32, #tpu.memory_space<hbm>>
    %dma_wait3A_110 = arith.constant 10000 : i32
    %dma_wait3A_111 = tpu.memref_slice %arg8[%dma_wait3A_110] : memref<20000xi32, #tpu.memory_space<vmem>> -> memref<10000xi32, #tpu.memory_space<vmem>>
    %dma_wait3A_112 = tpu.memref_slice %arg2[%add3A_33] : memref<1280000xi32, #tpu.memory_space<hbm>> -> memref<10000xi32, #tpu.memory_space<hbm>>
    tpu.wait_dma2 semaphore(%arg16 : memref<!tpu.dma_semaphore, #tpu.memory_space<semaphore_mem>>) src(%dma_wait3A_112 : memref<10000xi32, #tpu.memory_space<hbm>>) dst(%dma_wait3A_111 : memref<10000xi32, #tpu.memory_space<vmem>>)
    %dma_wait3A_113 = arith.constant 10000 : i32
    %dma_wait3A_114 = tpu.memref_slice %arg9[%dma_wait3A_113] : memref<20000xi32, #tpu.memory_space<vmem>> -> memref<10000xi32, #tpu.memory_space<vmem>>
    %dma_wait3A_115 = tpu.memref_slice %arg3[%add3A_41] : memref<640000xi32, #tpu.memory_space<hbm>> -> memref<10000xi32, #tpu.memory_space<hbm>>
    %dma_wait3A_116 = arith.constant 10000 : i32
    %dma_wait3A_117 = tpu.memref_slice %arg9[%dma_wait3A_116] : memref<20000xi32, #tpu.memory_space<vmem>> -> memref<10000xi32, #tpu.memory_space<vmem>>
    %dma_wait3A_118 = tpu.memref_slice %arg3[%add3A_41] : memref<640000xi32, #tpu.memory_space<hbm>> -> memref<10000xi32, #tpu.memory_space<hbm>>
    tpu.wait_dma2 semaphore(%arg16 : memref<!tpu.dma_semaphore, #tpu.memory_space<semaphore_mem>>) src(%dma_wait3A_118 : memref<10000xi32, #tpu.memory_space<hbm>>) dst(%dma_wait3A_117 : memref<10000xi32, #tpu.memory_space<vmem>>)
    %parallel_loop3A_119 = arith.constant 625 : i32
    %parallel_loop3A_120 = arith.constant 1250 : i32
    %parallel_loop3A_121 = arith.constant 1 : i32
    scf.for %parallel_loop3A_128 = %parallel_loop3A_119 to %parallel_loop3A_120 step %parallel_loop3A_121  : i32 {
      %parallel_loop3A_129 = arith.constant 16 : i32
      %parallel_loop3A_130 = arith.muli %parallel_loop3A_128, %parallel_loop3A_129 : i32
      %parallel_loop3A_131 = arith.index_cast %parallel_loop3A_130 : i32 to index
      %parallel_loop3A_132 = tpu.vector_load %arg7[%parallel_loop3A_131] {strides = array<i32>} : memref<20000xi32, #tpu.memory_space<vmem>>, vector<16xi32>,
      %parallel_loop3A_133 = arith.index_cast %parallel_loop3A_130 : i32 to index
      %parallel_loop3A_134 = tpu.vector_load %arg8[%parallel_loop3A_133] {strides = array<i32>} : memref<20000xi32, #tpu.memory_space<vmem>>, vector<16xi32>,
      %parallel_loop3A_135 = arith.index_cast %parallel_loop3A_130 : i32 to index
      %parallel_loop3A_136 = tpu.vector_load %arg9[%parallel_loop3A_135] {strides = array<i32>} : memref<20000xi32, #tpu.memory_space<vmem>>, vector<16xi32>,
      %parallel_loop3A_137 = tpu.vector_load_idx %arg11[%parallel_loop3A_136] : memref<256xf32, #tpu.memory_space<vmem>>[vector<16xi32>], vector<16xf32>,
      %parallel_loop3A_138 = tpu.vector_load_idx %arg10[%parallel_loop3A_132] : memref<10000xf32, #tpu.memory_space<vmem>>[vector<16xi32>], vector<16xf32>,
      %parallel_loop3A_139 = arith.sitofp %parallel_loop3A_134 : vector<16xi32> to vector<16xf32>
      %parallel_loop3A_140 = arith.constant 9.99999974E-5 : f32
      %parallel_loop3A_141 = vector.broadcast %parallel_loop3A_140 : f32 to vector<16xf32>
      %parallel_loop3A_142 = arith.mulf %parallel_loop3A_139, %parallel_loop3A_141 : vector<16xf32>
      %parallel_loop3A_143 = arith.fptosi %parallel_loop3A_142 : vector<16xf32> to vector<16xi32>
      %parallel_loop3A_144 = arith.constant 10000 : i32
      %parallel_loop3A_145 = vector.broadcast %parallel_loop3A_144 : i32 to vector<16xi32>
      %parallel_loop3A_146 = arith.muli %parallel_loop3A_143, %parallel_loop3A_145 : vector<16xi32>
      %parallel_loop3A_147 = arith.subi %parallel_loop3A_134, %parallel_loop3A_146 : vector<16xi32>
      %parallel_loop3A_148 = arith.constant 10000 : i32
      %parallel_loop3A_149 = vector.broadcast %parallel_loop3A_148 : i32 to vector<16xi32>
      %parallel_loop3A_150 = arith.cmpi sge, %parallel_loop3A_147, %parallel_loop3A_149 : vector<16xi32>
      %parallel_loop3A_151 = arith.constant 10000 : i32
      %parallel_loop3A_152 = vector.broadcast %parallel_loop3A_151 : i32 to vector<16xi32>
      %parallel_loop3A_153 = arith.subi %parallel_loop3A_147, %parallel_loop3A_152 : vector<16xi32>
      %parallel_loop3A_154 = arith.select %parallel_loop3A_150, %parallel_loop3A_153, %parallel_loop3A_147 : vector<16xi1>, vector<16xi32>
      %parallel_loop3A_155 = arith.constant 7 : i32
      %parallel_loop3A_156 = vector.broadcast %parallel_loop3A_155 : i32 to vector<16xi32>
      %parallel_loop3A_157 = arith.shrui %parallel_loop3A_154, %parallel_loop3A_156 : vector<16xi32>
      %parallel_loop3A_158 = arith.constant 127 : i32
      %parallel_loop3A_159 = vector.broadcast %parallel_loop3A_158 : i32 to vector<16xi32>
      %parallel_loop3A_160 = arith.andi %parallel_loop3A_154, %parallel_loop3A_159 : vector<16xi32>
      %parallel_loop3A_161 = arith.mulf %parallel_loop3A_137, %parallel_loop3A_138 : vector<16xf32>
      tpu.vector_store_idx %arg12[%parallel_loop3A_157, %parallel_loop3A_160], %parallel_loop3A_161 {add = true} : memref<80x128xf32, #tpu.memory_space<vmem>>[vector<16xi32>, vector<16xi32>], vector<16xf32>,
    } {sc.loop_unroll_factor = 16 : i64, sc.parallel_access}
    %barrier3A = arith.constant 0 : index
    tpu.barrier barrier_id(%barrier3A)
    "tpu.region"() ({
      %run_scoped3A = tpu.sem_alloc : memref<!tpu.dma_semaphore, #tpu.memory_space<semaphore_mem>>
      %dma_start3A_128 = arith.constant 0 : i32
      %dma_start3A_129 = arith.constant 0 : i32
      %dma_start3A_130 = tpu.memref_slice %arg14[%dma_start3A_128, %dma_start3A_129] : memref<80x128xf32, #tpu.memory_space<vmem_shared>> -> memref<80x128xf32, #tpu.memory_space<vmem_shared>>
      tpu.enqueue_indirect_dma source(%arg12 : memref<80x128xf32, #tpu.memory_space<vmem>>) target(%dma_start3A_130 : memref<80x128xf32, #tpu.memory_space<vmem_shared>>) offsets(%arg13 : memref<80xi32, #tpu.memory_space<vmem>>) semaphore(%run_scoped3A : memref<!tpu.dma_semaphore, #tpu.memory_space<semaphore_mem>>) {add = true}
      %dma_wait3A_131 = arith.constant 0 : i32
      %dma_wait3A_132 = arith.constant 0 : i32
      %dma_wait3A_133 = tpu.memref_slice %arg14[%dma_wait3A_131, %dma_wait3A_132] : memref<80x128xf32, #tpu.memory_space<vmem_shared>> -> memref<80x128xf32, #tpu.memory_space<vmem_shared>>
      tpu.wait_indirect_dma semaphore(%run_scoped3A : memref<!tpu.dma_semaphore, #tpu.memory_space<semaphore_mem>>) src(%arg12 : memref<80x128xf32, #tpu.memory_space<vmem>>) dst(%dma_wait3A_133 : memref<80x128xf32, #tpu.memory_space<vmem_shared>>)
      tpu.yield
    }) : () -> ()
    %barrier3A_122 = arith.constant 0 : index
    tpu.barrier barrier_id(%barrier3A_122)
    %eq3A_123 = arith.constant 0 : i32
    %eq3A_124 = arith.cmpi eq, %arg1, %eq3A_123 : i32
    %convert_element_type3A_125 = arith.extui %eq3A_124 : i1 to i32
    %cond3A_126 = arith.constant 0 : i32
    %cond3A_127 = arith.cmpi ne, %convert_element_type3A_125, %cond3A_126 : i32
    scf.if %cond3A_127 {
      "tpu.region"() ({
        %run_scoped3A = tpu.sem_alloc : memref<!tpu.dma_semaphore, #tpu.memory_space<semaphore_mem>>
        %dma_start3A_128 = arith.constant 0 : i32
        %dma_start3A_129 = arith.constant 0 : i32
        %dma_start3A_130 = tpu.memref_slice %arg6[%arg0, %dma_start3A_128, %dma_start3A_129] : memref<2x80x128xf32, #tpu.memory_space<hbm>> -> memref<1x80x128xf32, #tpu.memory_space<hbm>>
        %dma_start3A_131 = tpu.memref_squeeze %dma_start3A_130 : memref<1x80x128xf32, #tpu.memory_space<hbm>> -> memref<80x128xf32, #tpu.memory_space<hbm>>
        tpu.enqueue_dma source(%arg14 : memref<80x128xf32, #tpu.memory_space<vmem_shared>>) target(%dma_start3A_131 : memref<80x128xf32, #tpu.memory_space<hbm>>) target_semaphore(%run_scoped3A : memref<!tpu.dma_semaphore, #tpu.memory_space<semaphore_mem>>)
        %dma_wait3A_132 = arith.constant 0 : i32
        %dma_wait3A_133 = arith.constant 0 : i32
        %dma_wait3A_134 = tpu.memref_slice %arg6[%arg0, %dma_wait3A_132, %dma_wait3A_133] : memref<2x80x128xf32, #tpu.memory_space<hbm>> -> memref<1x80x128xf32, #tpu.memory_space<hbm>>
        %dma_wait3A_135 = tpu.memref_squeeze %dma_wait3A_134 : memref<1x80x128xf32, #tpu.memory_space<hbm>> -> memref<80x128xf32, #tpu.memory_space<hbm>>
        tpu.wait_dma2 semaphore(%run_scoped3A : memref<!tpu.dma_semaphore, #tpu.memory_space<semaphore_mem>>) src(%arg14 : memref<80x128xf32, #tpu.memory_space<vmem_shared>>) dst(%dma_wait3A_135 : memref<80x128xf32, #tpu.memory_space<hbm>>)
        tpu.yield
      }) : () -> ()
    } else {
    }
    return
  }
}

</mosaic_0001>

<sc_bundles>
// kernel: kernel.3.cloned.1.call-start
scs
__scs_entry_jumppad:
0x0: {  	(pc) =	sbr.rel $0x88, $3  }
0x1: {  	(tag) =	ssettag $0x0;
	lr =	simm.s32 $0x1  }
0x2: {  	[smem:$0x3F9D] =	sst lr;
	_ =	strace $0xD0000000  }
0x3: {  	_ = 	snop  }
0x4: {  	_ = 	snop  }
0x5: {  	_ = 	snop  }
0x6: {  	_ = 	snop  }
0x7: {  	_ = 	snop  }
__scs_overlays_trampoline_lowered:
0x8: {  	[smem:$0x3FAC] =	sst s0  }
0x9: {  	[smem:$0x3FAD] =	sst s1  }
0xa: {  	[smem:$0x3FAE] =	sst s2  }
0xb: {  	[smem:$0x3FAF] =	sst s3  }
0xc: {  	[smem:$0x3FB0] =	sst s4  }
0xd: {  	[smem:$0x3FB1] =	sst s5  }
0xe: {  	[smem:$0x3FB2] =	sst s6  }
0xf: {  	[smem:$0x3FB3] =	sst s7  }
0x10: {  	[smem:$0x3FB4] =	sst s8  }
0x11: {  	[smem:$0x3FB5] =	sst s9;
	s0 =	simm.s32 @!p0 $0x0  }
0x12: {  	s1 =	sld [smem:$0x3F9B];
	s0 =	simm.s32 @p0 $0x1  }
0x13: {  	[smem:$0x3FB6] =	sst s0;
	s0 =	simm.s32 @!p1 $0x0  }
0x14: {  	s2 =	sld [smem:$0x3F9A];
	s0 =	simm.s32 @p1 $0x1  }
0x15: {  	[smem:$0x3FB7] =	sst s0;
	s0 =	simm.s32 @!p2 $0x0  }
0x16: {  	s3 =	sld [smem:$0x3FDB];
	s0 =	simm.s32 @p2 $0x1  }
0x17: {  	s4 =	simm.s32 $0x1BF5;
	[smem:$0x3FB9] =	sst s0  }
0x18: {  	s0 =	sld [smem:$0x3F9C];
	_ =	swait.ge [sflag:s4], $0x0  }
0x19: {  	s7 =	sld [smem:$0x3F9D]  }
0x1a: {  	s8 =	sadd.s32 $0xFFFFE003, lr  }
0x1b: {  	s9 =	sadd.s32 $0xFFFFFEF7, lr;
	s5 =	simm.s32 $0xFFFFFFFF;
	p2 =	slt.u32 s8, $0xFFFFF086  }
0x1c: {  	p1 =	slt.u32 s9, $0xF7A;
	s5 =	simm.s32 @!p2 $0x0  }
0x1d: {  	s5 =	simm.s32 @p1 $0x1;
	p0 =	seq.s32 s7, s2  }
0x1e: {  	s7 =	smul.u32 @!p0 $0xF7A, s2;
	p2 =	seq.s32 @!p0 s5, $0x0  }
0x1f: {  	s9 =	smul.u32 $0xF7A, s1;
	s8 =	simm.s32 @!p0 $0x1BF5;
	p2 =	por !p2, p0  }
0x20: {  	[sflag:s8] =	ssyncset.s32 @!p0 $0xFFFFF086;
	s6 =	sadd.s32 @!p0 s3, s7;
	s7 =	simm.s32 @!p0 $0x108  }
0x21: {  	s3 =	sadd.s32 s3, s9;
	s6 =	sadd.s32 @!p0 $0x88, s6;
	s7 =	simm.s32 @p2 $0x1082  }
0x22: {  	[simem:s7], [sflag:s8] =	dma.local @!p0 [hbm:s6], $0xF7A  }
0x23: {  	s9 =	sor.u32 $0xD0000000, s2;
	s6 =	simm.s32 $0x108;
	_ =	swait.ge @!p0 [sflag:s8], $0x0  }
0x24: {  	s3 =	sadd.s32 $0x88, s3;
	s6 =	simm.s32 @!p1 $0x1082;
	[sflag:s4] =	ssyncset.s32 $0xFFFFF086  }
0x25: {  	[simem:s6], [sflag:s4] =	dma.local [hbm:s3], $0xF7A  }
0x26: {  	[smem:$0x3F9D] =	sst s1;
	(tag) =	ssettag s2;
	_ =	strace s9  }
0x27: {  	s1 =	sld [smem:$0x3FAD]  }
0x28: {  	s2 =	sld [smem:$0x3FAE]  }
0x29: {  	s4 =	sld [smem:$0x3FB0]  }
0x2a: {  	p0 =	seq.s32 s5, $0x0;
	s5 =	sld [smem:$0x3FB1]  }
0x2b: {  	s6 =	sld [smem:$0x3FB2]  }
0x2c: {  	s7 =	sld [smem:$0x3FB3]  }
0x2d: {  	s3 =	simm.s32 $0x108;
	s8 =	sld [smem:$0x3FB4]  }
0x2e: {  	s3 =	simm.s32 @!p0 $0x1082;
	s9 =	sld [smem:$0x3FB5]  }
0x2f: {  	lr =	sadd.s32 s0, s3;
	s0 =	sld [smem:$0x3FAC]  }
0x30: {  	s3 =	sld [smem:$0x3FAF]  }
0x31: {  	[smem:$0x3FB8] =	sst s10  }
0x32: {  	s10 =	sld [smem:$0x3FB6];
	_ =	sdelay $0x3  }
0x33: {  	p0 =	seq.s32 s10, $0x1;
	s10 =	sld [smem:$0x3FB8];
	_ =	sdelay $0x3  }
0x34: {  	[smem:$0x3FB8] =	sst s10  }
0x35: {  	s10 =	sld [smem:$0x3FB7];
	_ =	sdelay $0x3  }
0x36: {  	p1 =	seq.s32 s10, $0x1;
	s10 =	sld [smem:$0x3FB8];
	_ =	sdelay $0x3  }
0x37: {  	[smem:$0x3FB8] =	sst s10  }
0x38: {  	s10 =	sld [smem:$0x3FB9]  }
0x39: {  	_ = 	snop;
	(pc) =	sbr.ind lr, $3  }
0x3a: {  	_ = 	snop  }
0x3b: {  	_ = 	snop  }
0x3c: {  	p2 =	seq.s32 s10, $0x1;
	s10 =	sld [smem:$0x3FB8]  }
0x3d: {  	_ =	shalt  }
0x3e: {  	_ =	shalt  }
0x3f: {  	_ =	shalt  }
0x40: {  	_ =	shalt  }
0x41: {  	_ =	shalt  }
0x42: {  	_ =	shalt  }
0x43: {  	_ =	shalt  }
0x44: {  	_ =	shalt  }
0x45: {  	_ =	shalt  }
0x46: {  	_ =	shalt  }
0x47: {  	_ =	shalt  }
0x48: {  	_ =	shalt  }
0x49: {  	_ =	shalt  }
0x4a: {  	_ =	shalt  }
0x4b: {  	_ =	shalt  }
0x4c: {  	_ =	shalt  }
0x4d: {  	_ =	shalt  }
0x4e: {  	_ =	shalt  }
0x4f: {  	_ =	shalt  }
0x50: {  	_ =	shalt  }
0x51: {  	_ =	shalt  }
0x52: {  	_ =	shalt  }
0x53: {  	_ =	shalt  }
0x54: {  	_ =	shalt  }
0x55: {  	_ =	shalt  }
0x56: {  	_ =	shalt  }
0x57: {  	_ =	shalt  }
0x58: {  	_ =	shalt  }
0x59: {  	_ =	shalt  }
0x5a: {  	_ =	shalt  }
0x5b: {  	_ =	shalt  }
0x5c: {  	_ =	shalt  }
0x5d: {  	_ =	shalt  }
0x5e: {  	_ =	shalt  }
0x5f: {  	_ =	shalt  }
0x60: {  	_ =	shalt  }
0x61: {  	_ =	shalt  }
0x62: {  	_ =	shalt  }
0x63: {  	_ =	shalt  }
0x64: {  	_ =	shalt  }
0x65: {  	_ =	shalt  }
0x66: {  	_ =	shalt  }
0x67: {  	_ =	shalt  }
0x68: {  	_ =	shalt  }
0x69: {  	_ =	shalt  }
0x6a: {  	_ =	shalt  }
0x6b: {  	_ =	shalt  }
0x6c: {  	_ =	shalt  }
0x6d: {  	_ =	shalt  }
0x6e: {  	_ =	shalt  }
0x6f: {  	_ =	shalt  }
0x70: {  	_ =	shalt  }
0x71: {  	_ =	shalt  }
0x72: {  	_ =	shalt  }
0x73: {  	_ =	shalt  }
0x74: {  	_ =	shalt  }
0x75: {  	_ =	shalt  }
0x76: {  	_ =	shalt  }
0x77: {  	_ =	shalt  }
0x78: {  	_ =	shalt  }
0x79: {  	_ =	shalt  }
0x7a: {  	_ =	shalt  }
0x7b: {  	_ =	shalt  }
0x7c: {  	_ =	shalt  }
0x7d: {  	_ =	shalt  }
0x7e: {  	_ =	shalt  }
0x7f: {  	_ =	shalt  }
0x80: {  	_ =	shalt  }
0x81: {  	_ =	shalt  }
0x82: {  	_ =	shalt  }
0x83: {  	_ =	shalt  }
0x84: {  	_ =	shalt  }
0x85: {  	_ =	shalt  }
0x86: {  	_ =	shalt  }
0x87: {  	_ =	shalt  }
.Lfunc_end0:
.L_simem_size_0:
called_computation_lowered:
.L_overlay_start_0:
0x88: {  	s2 =	sld [smem:$0x3FD9]  }
0x89: {  	s3 =	sld [smem:$0x3FFE];
	_ =	sdelay $0x1  }
0x8a: {  	s1 =	srdreg.scid  }
0x8b: {  	s0 =	sand.u32 $0x1, s1  }
0x8c: {  	s14 =	sshll.u32 s0, $0xA;
	s2 =	sadd.s32 s3, s2  }
0x8d: {  	s2 =	sadd.s32 s2, s14  }
0x8e: {  	[smem:$0x3FC4] =	sst s2  }
0x8f: {  	_ = 	snop  }
0x90: {  	s2 =	sld [smem:$0x3FD0];
	_ =	sdelay $0x1  }
0x91: {  	s15 =	sld [smem:$0x3FC9]  }
0x92: {  	s5 =	simm.s32 $0xA;
	s6 =	simm.s32 $0x10;
	s4 =	sld [smem:$0x3FC7]  }
0x93: {  	[smem:s6], [sflag:s5] =	dma.local [hbm:s2], $0x1  }
0x94: {  	_ =	swait.eq [sflag:s5], $0x1  }
0x95: {  	[sflag:s5] =	ssyncset.done $0x0  }
0x96: {  	[sflag:s5] =	ssyncadd.s32 $0xFFFFFFFF  }
0x97: {  	s16 =	sld [smem:$0x10];
	(tm) =	ssettm $0x1  }
0x98: {  	s17 =	sld [smem:$0x3FFB];
	_ =	sdelay $0x3  }
0x99: {  	_ =	strace s17  }
0x9a: {  	s5 =	sld [smem:$0x3FFC];
	_ =	sdelay $0x3  }
0x9b: {  	_ =	strace s5  }
0x9c: {  	s5 =	sld [smem:$0x3FFD];
	_ =	sdelay $0x3  }
0x9d: {  	_ =	strace s5  }
0x9e: {  	_ =	strace $0x8FFFFFFF  }
0x9f: {  	s18 =	sld [smem:$0x3FDB];
	_ =	sdelay $0x1  }
0xa0: {  	s19 =	simm.s32 $_scs_section_size  }
0xa1: {  	s7 =	simm.s32 $_size__tile_overlayer_lowered;
	s8 =	simm.s32 $_tile_overlayer_lowered  }
0xa2: {  	s22 =	simm.s32 $0x1BFF;
	s21 =	sshll.u32 s8, $0x1;
	s5 =	sadd.s32 s19, s18  }
0xa3: {  	s9 =	simm.s32 $0x0;
	s20 =	sshll.u32 s7, $0x1;
	s7 =	sadd.s32 s21, s5  }
0xa4: {  	[timem:s9], [sflag:s22] =	dma.local [hbm:s7], s20  }
0xa5: {  	_ =	swait.ge [sflag:s22], s20  }
0xa6: {  	s6 =	ssub.s32 $0x0, s20;
	[sflag:s22] =	ssyncset.done $0x0  }
0xa7: {  	[sflag:s22] =	ssyncadd.s32 s6;
	_ =	sdelay $0x1  }
0xa8: {  	s23 =	simm.s32 $0x1B8B  }
0xa9: {  	_ =	swait.ge [sflag:s23], $0x1  }
0xaa: {  	[sflag:s23] =	ssyncset.done $0x0  }
0xab: {  	s25 =	simm.s32 $0x1B8E;
	s24 =	sld [smem:$0x3FFE];
	[sflag:s23] =	ssyncadd.s32 $0xFFFFFFFF  }
0xac: {  	s26 =	simm.s32 $execute0_lowered;
	[smem:$0x3FD2] =	sst s25  }
0xad: {  	s7 =	sshll.u32 s26, $0x1;
	_ =	strace $0x80000046;
	[dreg:$0x1] =	wrdreg $0xFFFFFFFF  }
0xae: {  	s28 =	simm.s32 $_size_execute0_lowered;
	s5 =	sadd.s32 s5, s7;
	[dreg:$0x0] =	wrdreg $0x0  }
0xaf: {  	s7 =	sshll.u32 s28, $0x1;
	[dreg:$0x2] =	wrdreg s5  }
0xb0: {  	[dreg:$0x3] =	wrdreg s7  }
0xb1: {  	[dreg:$0x4] =	wrdreg $0xC0  }
0xb2: {  	_ =	task [dreg:s9], $0x5FFFF  }
0xb3: {  	[dreg:$0x1] =	wrdreg $0xFFFFFFFF  }
0xb4: {  	[dreg:$0x0] =	wrdreg $0x60  }
0xb5: {  	[dreg:$0x2] =	wrdreg s24  }
0xb6: {  	[dreg:$0x3] =	wrdreg s4  }
0xb7: {  	[dreg:$0x4] =	wrdreg s16  }
0xb8: {  	[dreg:$0x5] =	wrdreg s15  }
0xb9: {  	[dreg:$0x6] =	wrdreg $0x13C800  }
0xba: {  	[dreg:$0x7] =	wrdreg $0x9  }
0xbb: {  	_ =	task.clear_ibuf [dreg:s9], $0x8FFFF;
	_ =	strace $0x90000046  }
0xbc: {  	s29 =	simm.s32 $0x9;
	_ =	strace $0x80000048  }
0xbd: {  	_ =	swait.ge [sflag:s29], $0x1  }
0xbe: {  	[sflag:s29] =	ssyncadd.s32 $0xFFFFFFFF  }
0xbf: {  	_ =	strace $0x90000048  }
0xc0: {  	_ =	sfence  }
0xc1: {  	s30 =	sld [smem:$0x0];
	_ =	sdelay $0x2  }
0xc2: {  	s31 =	sshll.u32 s1, $0xD;
	s1 =	sshrl.u32 s1, $0x2  }
0xc3: {  	s3 =	sand.u32 $0x4000, s31;
	s1 =	sadd.s32 s1, s30  }
0xc4: {  	s0 =	sor.u32 s3, s0;
	s1 =	sshll.u32 s1, $0x11  }
0xc5: {  	s0 =	sor.u32 s1, s0  }
0xc6: {  	s0 =	sadd.s32 $0x8F2B, s0  }
0xc7: {  	[sflag:s0] =	ssyncadd.remote.s32 $0x1  }
0xc8: {  	_ =	sfence.sel $0xFFFF  }
0xc9: {  	[dreg:$0x0] =	wrdreg $0xFFFFFFFF;
	(pc) =	sbr.abs _section_cstart, $3  }
0xca: {  	[dreg:$0x1] =	wrdreg $0xFFFFFFFF  }
0xcb: {  	_ =	task.clear_ibuf [dreg:s9], $0x2FFFF;
	_ =	strace $0x9FFFFFFF  }
0xcc: {  	(tm) =	ssettm $0x7FFFFFFF  }
0xcd: {  	_ =	shalt  }
tec
execute0_lowered:
.L_overlay_start_1:
0x0: {  	(tag) =	ssettag $0x1  }
0x1: {  	s8 =	rddreg [dreg:$0x0]  }
0x2: {  	s10 =	rddreg [dreg:$0x1]  }
0x3: {  	s1 =	srdreg.scid;
	s0 =	rddreg [dreg:$0x2]  }
0x4: {  	s2 =	rddreg [dreg:$0x3];
	s20 =	stileid.u32  }
0x5: {  	s3 =	rddreg [dreg:$0x4];
	s4 =	simm.s32 $0x0;
	s15 =	simm.s32 $0xEB80  }
0x6: {  	s16 =	simm.s32 $0x11300;
	s17 =	simm.s32 $0x2710;
	s18 =	simm.s32 $0x7590  }
0x7: {  	s19 =	simm.s32 $0xC410;
	s21 =	simm.s32 $0x11400;
	s22 =	simm.s32 $0x2  }
0x8: {  	s23 =	simm.s32 $0x50;
	s24 =	simm.s32 $0x13C00;
	s5 =	sand.u32 $0x1, s1  }
0x9: {  	s25 =	simm.s32 $0x3;
	s26 =	simm.s32 $0x0;
	s1 =	sshll.u32 s5, $0x4  }
0xa: {  	[smem:$0x7FF] =	sst s4;
	s7 =	smul.u32 $0x500, s5;
	s6 =	sor.u32 s20, s1  }
0xb: {  	p0 =	sne.s32 s20, $0x0;
	s9 =	ssub.s32 $0x2, s5;
	s6 =	smul.u32 $0x4E20, s6  }
0xc: {  	s1 =	rddreg [dreg:$0x5];
	_ =	strace $0x80000047;
	s31 =	sshrl.u32 s9, $0x1  }
0xd: {  	s20 =	simm.s32 $0x1;
	s12 =	sadd.s32 s7, s8;
	s11 =	sshrl.u32 s6, $0x3  }
0xe: {  	s13 =	ssub.s32 s9, s31;
	s5 =	sadd.s32 s8, s11;
	s14 =	sadd.s32 $0x4E2, s11  }
0xf: {  	v0 =	vlaneseq.u32;
	s7 =	sadd.s32 s10, s11;
	s11 =	sadd.s32 $0x27200, s12;
	s12 =	smax.u32 s13, $0x1  }
0x10: {  	v1 =	vimm.f32 $0.0e+00;
	v2 =	vor.u32 $0x10, v0;
	s13 =	simm.s32 $0x4E80;
	s6 =	sadd.s32 $0x13880, s5;
	s8 =	sadd.s32 s8, s14  }
0x11: {  	v3 =	vor.u32 $0x20, v0;
	v4 =	vor.u32 $0x30, v0;
	v5 =	vor.u32 $0x40, v0;
	[tilespmem:$0x1FFF0] =	vst v2;
	s9 =	sadd.s32 $0x13D62, s5;
	s10 =	sadd.s32 s10, s14;
	s14 =	simm.s32 $0x9D00  }
.LBB2_1:
0x12: {  	[tilespmem:s4], [sflag:$0x1] =	stream.linear.gather [hbm4b:s5+s4], $0x2710, $0x38;
	[tilespmem:$0x13F00] =	vst v63  }
0x13: {  	_ = 	snop  }
0x14: {  	[tilespmem:s13], [sflag:$0x1] =	stream.linear.gather [hbm4b:s6+s4], $0x2710, $0x38;
	[tilespmem:$0x13F00] =	vst v63  }
0x15: {  	_ = 	snop  }
0x16: {  	[tilespmem:s14], [sflag:$0x1] =	stream.linear.gather [hbm4b:s7+s4], $0x2710, $0x38;
	[tilespmem:$0x13F00] =	vst v63  }
0x17: {  	_ = 	snop  }
0x18: {  	[tilespmem:s15], [sflag:$0x1] =	stream.linear.gather [hbm4b:s0+s4], $0x2780, $0x38;
	[tilespmem:$0x13F00] =	vst v63  }
0x19: {  	_ = 	snop  }
0x1a: {  	[tilespmem:s16], [sflag:$0x1] =	stream.linear.gather [hbm4b:s2+s4], $0x100, $0x38;
	[tilespmem:$0x13F00] =	vst v63  }
0x1b: {  	_ = 	snop  }
0x1c: {  	[tilespmem:s17], [sflag:$0x2] =	stream.linear.gather [hbm4b:s8+s4], $0x2710, $0x38;
	[tilespmem:$0x13F00] =	vst v63  }
0x1d: {  	_ = 	snop  }
0x1e: {  	[tilespmem:s18], [sflag:$0x2] =	stream.linear.gather [hbm4b:s9+s4], $0x2710, $0x38;
	[tilespmem:$0x13F00] =	vst v63  }
0x1f: {  	s28 =	simm.s32 $0x11480  }
0x20: {  	[tilespmem:s19], [sflag:$0x2] =	stream.linear.gather [hbm4b:s10+s4], $0x2710, $0x38;
	[tilespmem:$0x13F00] =	vst v63  }
0x21: {  	[tilespmem:s28+$0xFFFFFF80] =	vst v1  }
0x22: {  	[tilespmem:s28+$0x70] =	vst v1  }
0x23: {  	[tilespmem:s28+$0x60] =	vst v1  }
0x24: {  	[tilespmem:s28+$0x50] =	vst v1  }
0x25: {  	[tilespmem:s28+$0x40] =	vst v1  }
0x26: {  	[tilespmem:s28+$0x30] =	vst v1  }
0x27: {  	[tilespmem:s28+$0x20] =	vst v1  }
0x28: {  	[tilespmem:s28+$0x10] =	vst v1  }
0x29: {  	[tilespmem:s28+$0x0] =	vst v1  }
0x2a: {  	[tilespmem:s28+$0xFFFFFFF0] =	vst v1  }
0x2b: {  	[tilespmem:s28+$0xFFFFFFE0] =	vst v1  }
0x2c: {  	[tilespmem:s28+$0xFFFFFFD0] =	vst v1  }
0x2d: {  	[tilespmem:s28+$0xFFFFFFC0] =	vst v1  }
0x2e: {  	[tilespmem:s28+$0xFFFFFFB0] =	vst v1  }
0x2f: {  	s29 =	simm.s32 $0x0;
	[tilespmem:s28+$0xFFFFFFA0] =	vst v1  }
.LBB2_2:
0x30: {  	s29 =	sadd.s32 $0x2, s29;
	[tilespmem:s28+$0xFFFFFF90] =	vst v1;
	s28 =	sadd.s32 $0x100, s28  }
0x31: {  	[tilespmem:s28+$0xFFFFFF80] =	vst v1;
	p1 =	slt.u32 s29, $0x4E  }
0x32: {  	[tilespmem:s28+$0x70] =	vst v1  }
0x33: {  	[tilespmem:s28+$0x60] =	vst v1  }
0x34: {  	[tilespmem:s28+$0x50] =	vst v1  }
0x35: {  	[tilespmem:s28+$0x40] =	vst v1  }
0x36: {  	[tilespmem:s28+$0x30] =	vst v1  }
0x37: {  	[tilespmem:s28+$0x20] =	vst v1  }
0x38: {  	[tilespmem:s28+$0x10] =	vst v1  }
0x39: {  	[tilespmem:s28+$0x0] =	vst v1  }
0x3a: {  	[tilespmem:s28+$0xFFFFFFF0] =	vst v1  }
.Ltmp0:
0x3b: {  	[tilespmem:s28+$0xFFFFFFE0] =	vst v1;
	(pc) =	sbr.rel @p1 .LBB2_2-.Ltmp0, $4  }
0x3c: {  	[tilespmem:s28+$0xFFFFFFD0] =	vst v1  }
0x3d: {  	[tilespmem:s28+$0xFFFFFFC0] =	vst v1  }
0x3e: {  	[tilespmem:s28+$0xFFFFFFB0] =	vst v1  }
0x3f: {  	[tilespmem:s28+$0xFFFFFFA0] =	vst v1  }
0x40: {  	[tilespmem:s28+$0xFFFFFF90] =	vst v1;
	v0 =	vlaneseq.u32  }
0x41: {  	[tilespmem:$0x13C00] =	vst v0;
	v0 =	vld [tilespmem:$0x1FFF0];
	_ =	sdelay $0x1  }
0x42: {  	[tilespmem:$0x13C20] =	vst v3  }
0x43: {  	[tilespmem:$0x13C30] =	vst v4  }
0x44: {  	[tilespmem:$0x13C40] =	vst v5  }
0x45: {  	s28 =	simm.s32 @!p0 $0x11400;
	[tilespmem:$0x13C10] =	vst v0  }
0x46: {  	[spmem:s3] =	stream.linear.scatter @!p0 [tilespmem:s28], [sflag:$0x3], $0x2800, $0x38;
	[tilespmem:$0x13F00] =	vst v63  }
0x47: {  	s28 =	simm.s32 @!p0 $0x3  }
0x48: {  	_ =	swait.ge @!p0 [sflag:s28], $0x2800  }
0x49: {  	[sflag:s28] =	ssyncset.done @!p0 $0x0  }
0x4a: {  	[sflag:s28] =	ssyncadd.s32 @!p0 $0xFFFFD800  }
0x4b: {  	_ =	swait.ge [sflag:s20], $0x2710  }
0x4c: {  	[sflag:s20] =	ssyncset.done $0x0  }
0x4d: {  	[sflag:s20] =	ssyncadd.s32 $0xFFFFD8F0  }
0x4e: {  	_ =	swait.ge [sflag:s20], $0x2710  }
0x4f: {  	[sflag:s20] =	ssyncset.done $0x0  }
0x50: {  	[sflag:s20] =	ssyncadd.s32 $0xFFFFD8F0  }
0x51: {  	_ =	swait.ge [sflag:s20], $0x2710  }
0x52: {  	[sflag:s20] =	ssyncset.done $0x0  }
0x53: {  	[sflag:s20] =	ssyncadd.s32 $0xFFFFD8F0  }
0x54: {  	_ =	swait.ge [sflag:s20], $0x2780  }
0x55: {  	[sflag:s20] =	ssyncset.done $0x0  }
0x56: {  	[sflag:s20] =	ssyncadd.s32 $0xFFFFD880  }
0x57: {  	_ =	swait.ge [sflag:s20], $0x100  }
0x58: {  	[sflag:s20] =	ssyncset.done $0x0  }
0x59: {  	s30 =	simm.s32 $0x4F00;
	[sflag:s20] =	ssyncadd.s32 $0xFFFFFF00  }
0x5a: {  	v7 =	vld [tilespmem:s30+$0x70]  }
0x5b: {  	v14 =	vld [tilespmem:s30+$0xFFFFFF80]  }
0x5c: {  	v15 =	vld [tilespmem:s30+$0xFFFFFF90]  }
0x5d: {  	s28 =	simm.s32 $0x9D80;
	v16 =	vld [tilespmem:s30+$0xFFFFFFA0]  }
0x5e: {  	s29 =	simm.s32 $0x80;
	v6 =	vld [tilespmem:s28+$0x70]  }
0x5f: {  	v8 =	vld [tilespmem:s29+$0x70]  }
0x60: {  	v17 =	vld [tilespmem:s30+$0xFFFFFFB0]  }
0x61: {  	v18 =	vld [tilespmem:s30+$0xFFFFFFC0]  }
0x62: {  	v19 =	vld [tilespmem:s30+$0xFFFFFFD0]  }
0x63: {  	v20 =	vld [tilespmem:s30+$0xFFFFFFE0]  }
0x64: {  	v13 =	vld [tilespmem:s30+$0xFFFFFFF0]  }
0x65: {  	v12 =	vld [tilespmem:s30+$0x0]  }
0x66: {  	v11 =	vld [tilespmem:s30+$0x50]  }
0x67: {  	v47 =	vld [tilespmem:s28+$0xFFFFFF80]  }
0x68: {  	v48 =	vld [tilespmem:s29+$0xFFFFFF90]  }
0x69: {  	v24 =	vld [tilespmem:s28+$0xFFFFFF90]  }
0x6a: {  	v25 =	vld [tilespmem:s29+$0xFFFFFF80]  }
0x6b: {  	v26 =	vld [tilespmem:s29+$0xFFFFFFA0]  }
0x6c: {  	v27 =	vld [tilespmem:s28+$0xFFFFFFA0]  }
0x6d: {  	v28 =	vld [tilespmem:s29+$0xFFFFFFB0]  }
0x6e: {  	v30 =	vld [tilespmem:s28+$0xFFFFFFB0]  }
0x6f: {  	v31 =	vld [tilespmem:s29+$0xFFFFFFC0]  }
0x70: {  	v32 =	vld [tilespmem:s28+$0xFFFFFFC0]  }
0x71: {  	v51 =	vld [tilespmem:s29+$0xFFFFFFD0]  }
0x72: {  	v35 =	vld [tilespmem:s28+$0xFFFFFFD0]  }
0x73: {  	v52 =	vld [tilespmem:s29+$0xFFFFFFE0]  }
0x74: {  	v54 =	vld [tilespmem:s28+$0xFFFFFFE0]  }
0x75: {  	v57 =	vld [tilespmem:s29+$0xFFFFFFF0];
	v9 =	vcvt.s32.f32 v7  }
0x76: {  	v58 =	vld [tilespmem:s28+$0xFFFFFFF0]  }
0x77: {  	v9 =	vmul.f32 $9.999999740e-05, v9;
	v21 =	vld.idx.msk [tilespmem:v6+s16+$0x0], $0xffff  }
0x78: {  	v22 =	vld.idx.msk [tilespmem:v8+s15+$0x0], $0xffff  }
0x79: {  	v6 =	vld [tilespmem:s30+$0x10];
	v9 =	vtrunc.f32 v9  }
0x7a: {  	v8 =	vld [tilespmem:s30+$0x30];
	v9 =	vcvt.f32.s32 v9  }
0x7b: {  	v50 =	vld.idx.msk [tilespmem:v25+s15+$0x0], $0xffff  }
0x7c: {  	v24 =	vld.idx.msk [tilespmem:v24+s16+$0x0], $0xffff;
	v9 =	vmul.u32 $0xFFFFD8F0, v9  }
0x7d: {  	v29 =	vcvt.s32.f32 v15;
	v59 =	vld.idx.msk [tilespmem:v27+s16+$0x0], $0xffff  }
0x7e: {  	v60 =	vld.idx.msk [tilespmem:v26+s15+$0x0], $0xffff;
	v9 =	vadd.s32 v7, v9  }
0x7f: {  	v29 =	vmul.f32 $9.999999740e-05, v29;
	v63 =	vld.idx.msk [tilespmem:v30+s16+$0x0], $0xffff;
	vm0 =	vgt.s32 v9, $0x270F;
	v10 =	vadd.s32 $0xFFFFD8F0, v9  }
0x80: {  	v30 =	vld.idx.msk [tilespmem:v28+s15+$0x0], $0xffff;
	v23 =	vsel vm0, v10, v9  }
0x81: {  	v27 =	vld [tilespmem:s28+$0x0];
	v29 =	vtrunc.f32 v29  }
0x82: {  	v49 =	vcvt.s32.f32 v14;
	v39 =	vld.idx.msk [tilespmem:v32+s16+$0x0], $0xffff;
	v29 =	vcvt.f32.s32 v29  }
0x83: {  	v34 =	vcvt.s32.f32 v16;
	v40 =	vld.idx.msk [tilespmem:v31+s15+$0x0], $0xffff;
	v21 =	vmul.f32 v22, v21  }
0x84: {  	v36 =	vcvt.s32.f32 v17;
	v38 =	vcvt.s32.f32 v20;
	v44 =	vld.idx.msk [tilespmem:v35+s16+$0x0], $0xffff;
	v29 =	vmul.u32 $0xFFFFD8F0, v29  }
0x85: {  	v62 =	vcvt.s32.f32 v18;
	[tilespmem:v23+s21+$0x0] =	vst.idx.add.f32.msk $0xffff, v21;
	v23 =	vmul.f32 $9.999999740e-05, v49  }
0x86: {  	v37 =	vcvt.s32.f32 v19;
	v26 =	vmul.f32 $9.999999740e-05, v38;
	v15 =	vadd.s32 v15, v29;
	v21 =	vld.idx.msk [tilespmem:v48+s15+$0x0], $0xffff  }
0x87: {  	v25 =	vld.idx.msk [tilespmem:v51+s15+$0x0], $0xffff;
	vm15 =	vgt.s32 v15, $0x270F;
	v55 =	vadd.s32 $0xFFFFD8F0, v15;
	v23 =	vtrunc.f32 v23  }
0x88: {  	v34 =	vmul.f32 $9.999999740e-05, v34;
	v51 =	vld [tilespmem:s28+$0x30];
	v15 =	vsel vm15, v55, v15;
	v23 =	vcvt.f32.s32 v23  }
0x89: {  	v41 =	vcvt.s32.f32 v13;
	v26 =	vtrunc.f32 v26;
	v22 =	vld.idx.msk [tilespmem:v47+s16+$0x0], $0xffff  }
0x8a: {  	v53 =	vtrunc.f32 v34;
	v26 =	vcvt.f32.s32 v26;
	v47 =	vld.idx.msk [tilespmem:v52+s15+$0x0], $0xffff;
	v23 =	vmul.u32 $0xFFFFD8F0, v23  }
0x8b: {  	v28 =	vmul.f32 v40, v39;
	v39 =	vld [tilespmem:s29+$0x60];
	v21 =	vmul.f32 v21, v24  }
0x8c: {  	v26 =	vmul.u32 $0xFFFFD8F0, v26;
	v40 =	vld [tilespmem:s28+$0x60];
	v14 =	vadd.s32 v14, v23;
	v23 =	vcvt.f32.s32 v53  }
0x8d: {  	[tilespmem:v15+s21+$0x0] =	vst.idx.add.f32.msk $0xffff, v21;
	v21 =	vmul.f32 $9.999999740e-05, v62;
	vm14 =	vgt.s32 v14, $0x270F;
	v33 =	vadd.s32 $0xFFFFD8F0, v14  }
0x8e: {  	v45 =	vcvt.s32.f32 v12;
	v56 =	vmul.f32 $9.999999740e-05, v36;
	v29 =	vld.idx.msk [tilespmem:v54+s16+$0x0], $0xffff;
	v14 =	vsel vm14, v33, v14  }
0x8f: {  	v7 =	vld [tilespmem:s30+$0x20];
	v20 =	vadd.s32 v20, v26;
	v23 =	vmul.u32 $0xFFFFD8F0, v23;
	v21 =	vtrunc.f32 v21  }
0x90: {  	v10 =	vld [tilespmem:s30+$0x40];
	vm1 =	vgt.s32 v20, $0x270F;
	v49 =	vadd.s32 $0xFFFFD8F0, v20;
	v21 =	vcvt.f32.s32 v21  }
0x91: {  	v9 =	vld [tilespmem:s30+$0x60];
	v22 =	vmul.f32 v50, v22;
	v20 =	vsel vm1, v49, v20;
	v16 =	vadd.s32 v16, v23  }
0x92: {  	v55 =	vld [tilespmem:s29+$0x40];
	vm4 =	vgt.s32 v16, $0x270F;
	v61 =	vadd.s32 $0xFFFFD8F0, v16;
	v21 =	vmul.u32 $0xFFFFD8F0, v21  }
0x93: {  	v29 =	vmul.f32 v47, v29;
	v15 =	vsel vm4, v61, v16;
	[tilespmem:v14+s21+$0x0] =	vst.idx.add.f32.msk $0xffff, v22;
	v14 =	vtrunc.f32 v56  }
0x94: {  	v27 =	vld.idx.msk [tilespmem:v27+s16+$0x0], $0xffff;
	v18 =	vadd.s32 v18, v21;
	v21 =	vmul.f32 $9.999999740e-05, v41;
	v14 =	vcvt.f32.s32 v14  }
0x95: {  	v46 =	vcvt.s32.f32 v6;
	v25 =	vmul.f32 v25, v44;
	v24 =	vld [tilespmem:s29+$0x10]  }
0x96: {  	[tilespmem:v20+s21+$0x0] =	vst.idx.add.f32.msk $0xffff, v29;
	v23 =	vmul.f32 v60, v59;
	v21 =	vtrunc.f32 v21;
	v14 =	vmul.u32 $0xFFFFD8F0, v14  }
0x97: {  	v54 =	vcvt.s32.f32 v8;
	v53 =	vld.idx.msk [tilespmem:v58+s16+$0x0], $0xffff;
	v21 =	vcvt.f32.s32 v21  }
0x98: {  	v50 =	vmul.f32 $9.999999740e-05, v45;
	v52 =	vcvt.s32.f32 v7;
	[tilespmem:v15+s21+$0x0] =	vst.idx.add.f32.msk $0xffff, v23;
	v14 =	vadd.s32 v17, v14  }
0x99: {  	v23 =	vld [tilespmem:s28+$0x10];
	v21 =	vmul.u32 $0xFFFFD8F0, v21;
	vm5 =	vgt.s32 v14, $0x270F;
	v36 =	vadd.s32 $0xFFFFD8F0, v14  }
0x9a: {  	v26 =	vtrunc.f32 v50;
	v59 =	vcvt.s32.f32 v11;
	v22 =	vld.idx.msk [tilespmem:v57+s15+$0x0], $0xffff;
	v14 =	vsel vm5, v36, v14  }
0x9b: {  	v57 =	vcvt.s32.f32 v10;
	v17 =	vmul.f32 v30, v63;
	v63 =	vld [tilespmem:s29+$0x50];
	v13 =	vadd.s32 v13, v21  }
0x9c: {  	v15 =	vmul.f32 $9.999999740e-05, v37;
	v36 =	vld [tilespmem:s28+$0x50];
	vm8 =	vgt.s32 v13, $0x270F;
	v56 =	vadd.s32 $0xFFFFD8F0, v13  }
0x9d: {  	v58 =	vmul.f32 $9.999999740e-05, v54;
	v62 =	vld [tilespmem:s28+$0x40];
	v21 =	vmul.f32 $9.999999740e-05, v59;
	v13 =	vsel vm8, v56, v13  }
0x9e: {  	v24 =	vld.idx.msk [tilespmem:v24+s15+$0x0], $0xffff;
	vm6 =	vgt.s32 v18, $0x270F;
	v60 =	vmul.f32 $9.999999740e-05, v57;
	v42 =	vtrunc.f32 v15  }
0x9f: {  	v43 =	vadd.s32 $0xFFFFD8F0, v18;
	v21 =	vtrunc.f32 v21;
	[tilespmem:v14+s21+$0x0] =	vst.idx.add.f32.msk $0xffff, v17;
	v14 =	vcvt.f32.s32 v42  }
0xa0: {  	v22 =	vmul.f32 v22, v53;
	v15 =	vld [tilespmem:s29+$0x20];
	v17 =	vsel vm6, v43, v18;
	v42 =	vcvt.f32.s32 v21  }
0xa1: {  	v37 =	vtrunc.f32 v58;
	v20 =	vtrunc.f32 v60;
	v43 =	vld.idx.msk [tilespmem:v23+s16+$0x0], $0xffff;
	v14 =	vmul.u32 $0xFFFFD8F0, v14  }
0xa2: {  	v41 =	vcvt.f32.s32 v20;
	[tilespmem:v13+s21+$0x0] =	vst.idx.add.f32.msk $0xffff, v22;
	v13 =	vcvt.f32.s32 v37;
	v20 =	vmul.u32 $0xFFFFD8F0, v42  }
0xa3: {  	v38 =	vcvt.f32.s32 v26;
	v61 =	vcvt.s32.f32 v9;
	v56 =	vld.idx.msk [tilespmem:v63+s15+$0x0], $0xffff;
	v14 =	vadd.s32 v19, v14  }
0xa4: {  	v54 =	vld.idx.msk [tilespmem:v36+s16+$0x0], $0xffff;
	v19 =	vmul.f32 $9.999999740e-05, v46;
	v13 =	vmul.u32 $0xFFFFD8F0, v13;
	v11 =	vadd.s32 v11, v20  }
0xa5: {  	vm7 =	vgt.s32 v14, $0x270F;
	v48 =	vadd.s32 $0xFFFFD8F0, v14;
	[tilespmem:v17+s21+$0x0] =	vst.idx.add.f32.msk $0xffff, v28;
	v28 =	vmul.f32 $9.999999740e-05, v52  }
0xa6: {  	v18 =	vld [tilespmem:s28+$0x20];
	vm14 =	vgt.s32 v11, $0x270F;
	v14 =	vsel vm7, v48, v14;
	v19 =	vtrunc.f32 v19  }
0xa7: {  	v16 =	vld [tilespmem:s29+$0x0];
	v57 =	vadd.s32 $0xFFFFD8F0, v11;
	v28 =	vtrunc.f32 v28;
	v19 =	vcvt.f32.s32 v19  }
0xa8: {  	v47 =	vld.idx.msk [tilespmem:v51+s16+$0x0], $0xffff;
	v58 =	vmul.f32 v24, v43;
	v8 =	vadd.s32 v8, v13;
	v28 =	vcvt.f32.s32 v28  }
0xa9: {  	v17 =	vld [tilespmem:s29+$0x30];
	v11 =	vsel vm14, v57, v11;
	vm12 =	vgt.s32 v8, $0x270F;
	v19 =	vmul.u32 $0xFFFFD8F0, v19  }
0xaa: {  	v26 =	vld.idx.msk [tilespmem:v40+s16+$0x0], $0xffff;
	v53 =	vadd.s32 $0xFFFFD8F0, v8;
	v63 =	vmul.f32 v56, v54;
	v45 =	vmul.u32 $0xFFFFD8F0, v28  }
0xab: {  	[tilespmem:v14+s21+$0x0] =	vst.idx.add.f32.msk $0xffff, v25;
	v25 =	vmul.f32 $9.999999740e-05, v61;
	v14 =	vmul.u32 $0xFFFFD8F0, v38;
	v6 =	vadd.s32 v6, v19  }
0xac: {  	v50 =	vld.idx.msk [tilespmem:v62+s16+$0x0], $0xffff;
	v7 =	vadd.s32 v7, v45;
	vm10 =	vgt.s32 v6, $0x270F;
	v49 =	vadd.s32 $0xFFFFD8F0, v6  }
0xad: {  	v15 =	vld.idx.msk [tilespmem:v15+s15+$0x0], $0xffff;
	v25 =	vtrunc.f32 v25;
	v12 =	vadd.s32 v12, v14;
	v14 =	vmul.u32 $0xFFFFD8F0, v41  }
0xae: {  	v18 =	vld.idx.msk [tilespmem:v18+s16+$0x0], $0xffff;
	vm11 =	vgt.s32 v7, $0x270F;
	v6 =	vsel vm10, v49, v6;
	v44 =	vcvt.f32.s32 v25  }
0xaf: {  	v16 =	vld.idx.msk [tilespmem:v16+s15+$0x0], $0xffff;
	v51 =	vadd.s32 $0xFFFFD8F0, v7;
	vm9 =	vgt.s32 v12, $0x270F;
	v48 =	vadd.s32 $0xFFFFD8F0, v12  }
0xb0: {  	v52 =	vld.idx.msk [tilespmem:v55+s15+$0x0], $0xffff;
	v7 =	vsel vm11, v51, v7;
	v10 =	vadd.s32 v10, v14;
	v46 =	vmul.u32 $0xFFFFD8F0, v44  }
0xb1: {  	v17 =	vld.idx.msk [tilespmem:v17+s15+$0x0], $0xffff;
	v12 =	vsel vm9, v48, v12;
	vm13 =	vgt.s32 v10, $0x270F;
	v55 =	vadd.s32 $0xFFFFD8F0, v10  }
0xb2: {  	v59 =	vld.idx.msk [tilespmem:v39+s15+$0x0], $0xffff;
	v8 =	vsel vm12, v53, v8;
	v10 =	vsel vm13, v55, v10;
	v9 =	vadd.s32 v9, v46  }
0xb3: {  	[tilespmem:v11+s21+$0x0] =	vst.idx.add.f32.msk $0xffff, v63;
	v60 =	vmul.f32 v15, v18;
	vm15 =	vgt.s32 v9, $0x270F;
	v61 =	vadd.s32 $0xFFFFD8F0, v9  }
0xb4: {  	v16 =	vmul.f32 v16, v27;
	[tilespmem:v6+s21+$0x0] =	vst.idx.add.f32.msk $0xffff, v58;
	v6 =	vsel vm15, v61, v9  }
0xb5: {  	[tilespmem:v7+s21+$0x0] =	vst.idx.add.f32.msk $0xffff, v60;
	v7 =	vmul.f32 v52, v50  }
0xb6: {  	v62 =	vmul.f32 v17, v47;
	[tilespmem:v12+s21+$0x0] =	vst.idx.add.f32.msk $0xffff, v16  }
0xb7: {  	[tilespmem:v10+s21+$0x0] =	vst.idx.add.f32.msk $0xffff, v7;
	v7 =	vmul.f32 v59, v26  }
0xb8: {  	[tilespmem:v8+s21+$0x0] =	vst.idx.add.f32.msk $0xffff, v62  }
0xb9: {  	s31 =	simm.s32 $0x5000;
	s30 =	simm.s32 $0x0;
	[tilespmem:v6+s21+$0x0] =	vst.idx.add.f32.msk $0xffff, v7  }
.LBB2_4:
0xba: {  	v11 =	vld [tilespmem:s31+$0x70];
	s30 =	sadd.s32 $0x10, s30  }
0xbb: {  	v6 =	vld [tilespmem:s31+$0xFFFFFF80];
	p1 =	slt.u32 s30, $0x260  }
0xbc: {  	v7 =	vld [tilespmem:s31+$0xFFFFFF90]  }
0xbd: {  	s28 =	sadd.s32 $0x100, s28;
	v8 =	vld [tilespmem:s31+$0xFFFFFFA0]  }
0xbe: {  	s29 =	sadd.s32 $0x100, s29;
	v12 =	vld [tilespmem:s28+$0x70]  }
0xbf: {  	v13 =	vld [tilespmem:s29+$0x70];
	v14 =	vcvt.s32.f32 v11  }
0xc0: {  	v15 =	vcvt.s32.f32 v6;
	v9 =	vld [tilespmem:s31+$0xFFFFFFB0]  }
0xc1: {  	v16 =	vcvt.s32.f32 v7;
	v10 =	vld [tilespmem:s31+$0xFFFFFFC0];
	v17 =	vmul.f32 $9.999999740e-05, v14  }
0xc2: {  	v18 =	vmul.f32 $9.999999740e-05, v15;
	v19 =	vcvt.s32.f32 v8;
	v14 =	vld [tilespmem:s31+$0xFFFFFFD0]  }
0xc3: {  	v16 =	vmul.f32 $9.999999740e-05, v16;
	v15 =	vld [tilespmem:s31+$0xFFFFFFE0];
	v20 =	vtrunc.f32 v17  }
0xc4: {  	v19 =	vmul.f32 $9.999999740e-05, v19;
	v17 =	vld [tilespmem:s31+$0xFFFFFFF0];
	v20 =	vcvt.f32.s32 v20  }
0xc5: {  	v18 =	vtrunc.f32 v18;
	v21 =	vcvt.s32.f32 v9;
	v23 =	vld [tilespmem:s31+$0x0]  }
0xc6: {  	v22 =	vtrunc.f32 v16;
	v16 =	vcvt.s32.f32 v10;
	v12 =	vld.idx.msk [tilespmem:v12+s16+$0x0], $0xffff;
	v20 =	vmul.u32 $0xFFFFD8F0, v20  }
0xc7: {  	v21 =	vmul.f32 $9.999999740e-05, v21;
	v24 =	vcvt.s32.f32 v14;
	v13 =	vld.idx.msk [tilespmem:v13+s15+$0x0], $0xffff  }
0xc8: {  	v16 =	vmul.f32 $9.999999740e-05, v16;
	v25 =	vcvt.s32.f32 v15;
	v32 =	vld [tilespmem:s31+$0x10];
	v11 =	vadd.s32 v11, v20  }
0xc9: {  	v20 =	vcvt.s32.f32 v17;
	v35 =	vld [tilespmem:s31+$0x20];
	vm0 =	vgt.s32 v11, $0x270F;
	v26 =	vadd.s32 $0xFFFFD8F0, v11  }
0xca: {  	v28 =	vmul.f32 $9.999999740e-05, v24;
	v24 =	vcvt.s32.f32 v23;
	v38 =	vld [tilespmem:s31+$0x30];
	v11 =	vsel vm0, v26, v11  }
0xcb: {  	v26 =	vmul.f32 $9.999999740e-05, v25;
	v20 =	vmul.f32 $9.999999740e-05, v20;
	v39 =	vld [tilespmem:s31+$0x40]  }
0xcc: {  	v30 =	vtrunc.f32 v19;
	v19 =	vmul.f32 $9.999999740e-05, v24;
	v40 =	vld [tilespmem:s31+$0x50]  }
0xcd: {  	v12 =	vmul.f32 v13, v12;
	v24 =	vcvt.s32.f32 v32;
	v41 =	vld [tilespmem:s31+$0x60]  }
0xce: {  	v21 =	vtrunc.f32 v21;
	v27 =	vld [tilespmem:s28+$0xFFFFFF80];
	v13 =	vcvt.s32.f32 v35  }
0xcf: {  	v33 =	vmul.f32 $9.999999740e-05, v24;
	v24 =	vcvt.s32.f32 v38;
	[tilespmem:v11+s21+$0x0] =	vst.idx.add.f32.msk $0xffff, v12  }
0xd0: {  	v25 =	vld [tilespmem:s29+$0xFFFFFF90];
	v11 =	vmul.f32 $9.999999740e-05, v13;
	v12 =	vcvt.s32.f32 v39  }
0xd1: {  	v34 =	vld [tilespmem:s28+$0xFFFFFF90];
	v13 =	vmul.f32 $9.999999740e-05, v24;
	v29 =	vcvt.s32.f32 v40  }
0xd2: {  	v24 =	vld [tilespmem:s29+$0xFFFFFFA0];
	v36 =	vmul.f32 $9.999999740e-05, v12;
	v12 =	vcvt.s32.f32 v41  }
0xd3: {  	v37 =	vtrunc.f32 v16;
	v31 =	vld [tilespmem:s28+$0xFFFFFFA0];
	v42 =	vmul.f32 $9.999999740e-05, v29  }
0xd4: {  	v28 =	vtrunc.f32 v28;
	v16 =	vld [tilespmem:s29+$0xFFFFFFB0];
	v43 =	vmul.f32 $9.999999740e-05, v12  }
0xd5: {  	v26 =	vtrunc.f32 v26;
	v44 =	vtrunc.f32 v20;
	v29 =	vld [tilespmem:s28+$0xFFFFFFB0]  }
0xd6: {  	v45 =	vtrunc.f32 v19;
	v33 =	vtrunc.f32 v33;
	v12 =	vld [tilespmem:s29+$0xFFFFFFC0]  }
0xd7: {  	v46 =	vtrunc.f32 v11;
	v47 =	vtrunc.f32 v13;
	v20 =	vld [tilespmem:s28+$0xFFFFFFC0]  }
0xd8: {  	v36 =	vtrunc.f32 v36;
	v42 =	vtrunc.f32 v42;
	v11 =	vld [tilespmem:s29+$0xFFFFFFD0]  }
0xd9: {  	v18 =	vcvt.f32.s32 v18;
	v43 =	vtrunc.f32 v43;
	v19 =	vld [tilespmem:s28+$0xFFFFFFD0]  }
0xda: {  	v22 =	vcvt.f32.s32 v22;
	v30 =	vcvt.f32.s32 v30;
	v13 =	vld [tilespmem:s29+$0xFFFFFFE0]  }
0xdb: {  	v48 =	vmul.u32 $0xFFFFD8F0, v18;
	v49 =	vcvt.f32.s32 v21;
	v37 =	vcvt.f32.s32 v37;
	v21 =	vld [tilespmem:s28+$0xFFFFFFE0]  }
0xdc: {  	v50 =	vmul.u32 $0xFFFFD8F0, v22;
	v28 =	vcvt.f32.s32 v28;
	v51 =	vcvt.f32.s32 v26;
	v18 =	vld [tilespmem:s29+$0xFFFFFFF0]  }
0xdd: {  	v52 =	vmul.u32 $0xFFFFD8F0, v30;
	v44 =	vcvt.f32.s32 v44;
	v45 =	vcvt.f32.s32 v45;
	v26 =	vld [tilespmem:s28+$0xFFFFFFF0]  }
0xde: {  	v49 =	vmul.u32 $0xFFFFD8F0, v49;
	v33 =	vcvt.f32.s32 v33;
	v46 =	vcvt.f32.s32 v46;
	v22 =	vld [tilespmem:s29+$0x0]  }
0xdf: {  	v53 =	vmul.u32 $0xFFFFD8F0, v37;
	v37 =	vcvt.f32.s32 v47;
	v47 =	vcvt.f32.s32 v36;
	v30 =	vld [tilespmem:s28+$0x0]  }
0xe0: {  	v54 =	vmul.u32 $0xFFFFD8F0, v28;
	v42 =	vcvt.f32.s32 v42;
	v43 =	vcvt.f32.s32 v43;
	v28 =	vld [tilespmem:s29+$0x10]  }
0xe1: {  	v51 =	vmul.u32 $0xFFFFD8F0, v51;
	v44 =	vmul.u32 $0xFFFFD8F0, v44;
	v45 =	vmul.u32 $0xFFFFD8F0, v45;
	v36 =	vld [tilespmem:s28+$0x10]  }
0xe2: {  	v55 =	vmul.u32 $0xFFFFD8F0, v33;
	v46 =	vmul.u32 $0xFFFFD8F0, v46;
	v56 =	vmul.u32 $0xFFFFD8F0, v37;
	v33 =	vld [tilespmem:s29+$0x20]  }
0xe3: {  	v47 =	vmul.u32 $0xFFFFD8F0, v47;
	v42 =	vmul.u32 $0xFFFFD8F0, v42;
	v43 =	vmul.u32 $0xFFFFD8F0, v43;
	v37 =	vld [tilespmem:s28+$0x20]  }
0xe4: {  	v48 =	vadd.s32 v6, v48;
	v7 =	vadd.s32 v7, v50;
	v8 =	vadd.s32 v8, v52;
	v6 =	vld [tilespmem:s29+$0x30]  }
0xe5: {  	v9 =	vadd.s32 v9, v49;
	v10 =	vadd.s32 v10, v53;
	v14 =	vadd.s32 v14, v54;
	v49 =	vld [tilespmem:s28+$0x30]  }
0xe6: {  	v15 =	vadd.s32 v15, v51;
	v17 =	vadd.s32 v17, v44;
	v23 =	vadd.s32 v23, v45;
	v44 =	vld [tilespmem:s29+$0x40]  }
0xe7: {  	v32 =	vadd.s32 v32, v55;
	v35 =	vadd.s32 v35, v46;
	v38 =	vadd.s32 v38, v56;
	v45 =	vld [tilespmem:s28+$0x40]  }
0xe8: {  	v39 =	vadd.s32 v39, v47;
	v40 =	vadd.s32 v40, v42;
	v41 =	vadd.s32 v41, v43;
	v46 =	vld [tilespmem:s29+$0x50]  }
0xe9: {  	vm0 =	vgt.s32 v48, $0x270F;
	vm1 =	vgt.s32 v7, $0x270F;
	v42 =	vadd.s32 $0xFFFFD8F0, v48;
	v43 =	vld [tilespmem:s28+$0x50]  }
0xea: {  	vm2 =	vgt.s32 v8, $0x270F;
	v50 =	vadd.s32 $0xFFFFD8F0, v8;
	v47 =	vadd.s32 $0xFFFFD8F0, v7;
	v51 =	vld [tilespmem:s29+$0x60]  }
0xeb: {  	vm3 =	vgt.s32 v9, $0x270F;
	v52 =	vadd.s32 $0xFFFFD8F0, v9;
	vm4 =	vgt.s32 v10, $0x270F;
	v53 =	vld [tilespmem:s28+$0x60]  }
0xec: {  	vm5 =	vgt.s32 v14, $0x270F;
	v55 =	vadd.s32 $0xFFFFD8F0, v10;
	v56 =	vadd.s32 $0xFFFFD8F0, v14;
	v54 =	vld [tilespmem:s29+$0xFFFFFF80]  }
0xed: {  	vm6 =	vgt.s32 v15, $0x270F;
	v57 =	vadd.s32 $0xFFFFD8F0, v15;
	vm7 =	vgt.s32 v17, $0x270F;
	v27 =	vld.idx.msk [tilespmem:v27+s16+$0x0], $0xffff  }
0xee: {  	v58 =	vadd.s32 $0xFFFFD8F0, v17;
	vm8 =	vgt.s32 v23, $0x270F;
	v59 =	vadd.s32 $0xFFFFD8F0, v23;
	v34 =	vld.idx.msk [tilespmem:v34+s16+$0x0], $0xffff  }
0xef: {  	vm9 =	vgt.s32 v32, $0x270F;
	v60 =	vadd.s32 $0xFFFFD8F0, v32;
	vm10 =	vgt.s32 v35, $0x270F;
	v25 =	vld.idx.msk [tilespmem:v25+s15+$0x0], $0xffff  }
0xf0: {  	v61 =	vadd.s32 $0xFFFFD8F0, v35;
	vm11 =	vgt.s32 v38, $0x270F;
	v62 =	vadd.s32 $0xFFFFD8F0, v38;
	v31 =	vld.idx.msk [tilespmem:v31+s16+$0x0], $0xffff  }
0xf1: {  	vm13 =	vgt.s32 v39, $0x270F;
	v63 =	vadd.s32 $0xFFFFD8F0, v39;
	vm12 =	vgt.s32 v40, $0x270F;
	v24 =	vld.idx.msk [tilespmem:v24+s15+$0x0], $0xffff  }
0xf2: {  	v0 =	vadd.s32 $0xFFFFD8F0, v40;
	vm14 =	vgt.s32 v41, $0x270F;
	v2 =	vadd.s32 $0xFFFFD8F0, v41;
	v29 =	vld.idx.msk [tilespmem:v29+s16+$0x0], $0xffff  }
0xf3: {  	v8 =	vsel vm2, v50, v8;
	v7 =	vsel vm1, v47, v7;
	v42 =	vsel vm0, v42, v48;
	v16 =	vld.idx.msk [tilespmem:v16+s15+$0x0], $0xffff  }
0xf4: {  	v9 =	vsel vm3, v52, v9;
	v10 =	vsel vm4, v55, v10;
	v14 =	vsel vm5, v56, v14;
	v47 =	vld.idx.msk [tilespmem:v54+s15+$0x0], $0xffff  }
0xf5: {  	v15 =	vsel vm6, v57, v15;
	v17 =	vsel vm7, v58, v17;
	v25 =	vmul.f32 v25, v34;
	v20 =	vld.idx.msk [tilespmem:v20+s16+$0x0], $0xffff  }
0xf6: {  	v23 =	vsel vm8, v59, v23;
	v32 =	vsel vm9, v60, v32;
	v34 =	vsel vm10, v61, v35;
	v12 =	vld.idx.msk [tilespmem:v12+s15+$0x0], $0xffff  }
0xf7: {  	v35 =	vsel vm13, v63, v39;
	v24 =	vmul.f32 v24, v31;
	v31 =	vsel vm11, v62, v38;
	v19 =	vld.idx.msk [tilespmem:v19+s16+$0x0], $0xffff  }
0xf8: {  	v0 =	vsel vm12, v0, v40;
	v2 =	vsel vm14, v2, v41;
	v11 =	vld.idx.msk [tilespmem:v11+s15+$0x0], $0xffff  }
0xf9: {  	v16 =	vmul.f32 v16, v29;
	v21 =	vld.idx.msk [tilespmem:v21+s16+$0x0], $0xffff  }
0xfa: {  	v27 =	vmul.f32 v47, v27;
	v13 =	vld.idx.msk [tilespmem:v13+s15+$0x0], $0xffff  }
0xfb: {  	v26 =	vld.idx.msk [tilespmem:v26+s16+$0x0], $0xffff  }
0xfc: {  	v12 =	vmul.f32 v12, v20;
	v18 =	vld.idx.msk [tilespmem:v18+s15+$0x0], $0xffff  }
0xfd: {  	v20 =	vld.idx.msk [tilespmem:v30+s16+$0x0], $0xffff  }
0xfe: {  	v11 =	vmul.f32 v11, v19;
	v19 =	vld.idx.msk [tilespmem:v22+s15+$0x0], $0xffff  }
0xff: {  	v22 =	vld.idx.msk [tilespmem:v36+s16+$0x0], $0xffff  }
0x100: {  	v13 =	vmul.f32 v13, v21;
	v21 =	vld.idx.msk [tilespmem:v28+s15+$0x0], $0xffff  }
0x101: {  	v28 =	vld.idx.msk [tilespmem:v37+s16+$0x0], $0xffff  }
0x102: {  	v18 =	vmul.f32 v18, v26;
	v26 =	vld.idx.msk [tilespmem:v33+s15+$0x0], $0xffff  }
0x103: {  	v29 =	vld.idx.msk [tilespmem:v49+s16+$0x0], $0xffff  }
0x104: {  	v19 =	vmul.f32 v19, v20;
	v6 =	vld.idx.msk [tilespmem:v6+s15+$0x0], $0xffff  }
0x105: {  	v20 =	vld.idx.msk [tilespmem:v45+s16+$0x0], $0xffff  }
0x106: {  	v21 =	vmul.f32 v21, v22;
	v22 =	vld.idx.msk [tilespmem:v44+s15+$0x0], $0xffff  }
0x107: {  	v30 =	vld.idx.msk [tilespmem:v43+s16+$0x0], $0xffff  }
0x108: {  	v26 =	vmul.f32 v26, v28;
	v28 =	vld.idx.msk [tilespmem:v46+s15+$0x0], $0xffff  }
0x109: {  	v33 =	vld.idx.msk [tilespmem:v53+s16+$0x0], $0xffff  }
0x10a: {  	v6 =	vmul.f32 v6, v29;
	v29 =	vld.idx.msk [tilespmem:v51+s15+$0x0], $0xffff  }
0x10b: {  	[tilespmem:v42+s21+$0x0] =	vst.idx.add.f32.msk $0xffff, v27  }
0x10c: {  	[tilespmem:v7+s21+$0x0] =	vst.idx.add.f32.msk $0xffff, v25;
	v7 =	vmul.f32 v22, v20  }
0x10d: {  	[tilespmem:v8+s21+$0x0] =	vst.idx.add.f32.msk $0xffff, v24  }
0x10e: {  	v8 =	vmul.f32 v28, v30;
	[tilespmem:v9+s21+$0x0] =	vst.idx.add.f32.msk $0xffff, v16  }
0x10f: {  	[tilespmem:v10+s21+$0x0] =	vst.idx.add.f32.msk $0xffff, v12  }
0x110: {  	v9 =	vmul.f32 v29, v33;
	[tilespmem:v14+s21+$0x0] =	vst.idx.add.f32.msk $0xffff, v11  }
0x111: {  	[tilespmem:v15+s21+$0x0] =	vst.idx.add.f32.msk $0xffff, v13  }
0x112: {  	[tilespmem:v17+s21+$0x0] =	vst.idx.add.f32.msk $0xffff, v18  }
0x113: {  	[tilespmem:v23+s21+$0x0] =	vst.idx.add.f32.msk $0xffff, v19  }
0x114: {  	[tilespmem:v32+s21+$0x0] =	vst.idx.add.f32.msk $0xffff, v21  }
.Ltmp1:
0x115: {  	[tilespmem:v34+s21+$0x0] =	vst.idx.add.f32.msk $0xffff, v26;
	(pc) =	sbr.rel @p1 .LBB2_4-.Ltmp1, $4  }
0x116: {  	[tilespmem:v31+s21+$0x0] =	vst.idx.add.f32.msk $0xffff, v6  }
0x117: {  	[tilespmem:v35+s21+$0x0] =	vst.idx.add.f32.msk $0xffff, v7  }
0x118: {  	[tilespmem:v0+s21+$0x0] =	vst.idx.add.f32.msk $0xffff, v8  }
0x119: {  	s31 =	sadd.s32 $0x100, s31;
	[tilespmem:v2+s21+$0x0] =	vst.idx.add.f32.msk $0xffff, v9  }
0x11a: {  	v0 =	vld [tilespmem:$0x7580];
	_ =	sdelay $0x4  }
0x11b: {  	v2 =	vld [tilespmem:$0xC400];
	v6 =	vcvt.s32.f32 v0  }
0x11c: {  	v7 =	vld [tilespmem:$0x2700]  }
0x11d: {  	v6 =	vmul.f32 $9.999999740e-05, v6;
	_ =	sdelay $0x1  }
0x11e: {  	v6 =	vtrunc.f32 v6  }
0x11f: {  	v6 =	vcvt.f32.s32 v6;
	_ =	sdelay $0x1  }
0x120: {  	v6 =	vmul.u32 $0xFFFFD8F0, v6  }
0x121: {  	v2 =	vld.idx.msk [tilespmem:v2+s16+$0x0], $0xffff  }
0x122: {  	v7 =	vld.idx.msk [tilespmem:v7+s15+$0x0], $0xffff;
	v0 =	vadd.s32 v0, v6  }
0x123: {  	vm0 =	vgt.s32 v0, $0x270F;
	v6 =	vadd.s32 $0xFFFFD8F0, v0  }
0x124: {  	v0 =	vsel vm0, v6, v0;
	_ =	sdelay $0x2  }
0x125: {  	v2 =	vmul.f32 v7, v2;
	_ =	sdelay $0x1  }
0x126: {  	[tilespmem:v0+s21+$0x0] =	vst.idx.add.f32.msk $0xffff, v2  }
0x127: {  	_ =	swait.ge [sflag:s22], $0x2710  }
0x128: {  	[sflag:s22] =	ssyncset.done $0x0  }
0x129: {  	[sflag:s22] =	ssyncadd.s32 $0xFFFFD8F0  }
0x12a: {  	_ =	swait.ge [sflag:s22], $0x2710  }
0x12b: {  	[sflag:s22] =	ssyncset.done $0x0  }
0x12c: {  	[sflag:s22] =	ssyncadd.s32 $0xFFFFD8F0  }
0x12d: {  	_ =	swait.ge [sflag:s22], $0x2710  }
0x12e: {  	[sflag:s22] =	ssyncset.done $0x0  }
0x12f: {  	s30 =	simm.s32 $0x7680;
	[sflag:s22] =	ssyncadd.s32 $0xFFFFD8F0  }
0x130: {  	v0 =	vld [tilespmem:s30+$0x0]  }
0x131: {  	v7 =	vld [tilespmem:s30+$0xFFFFFF10]  }
0x132: {  	v6 =	vld [tilespmem:s30+$0xFFFFFF20]  }
0x133: {  	s28 =	simm.s32 $0xC500;
	v8 =	vld [tilespmem:s30+$0xFFFFFF30]  }
0x134: {  	s29 =	simm.s32 $0x2800;
	v2 =	vld [tilespmem:s28+$0x0]  }
0x135: {  	v15 =	vld [tilespmem:s29+$0x0]  }
0x136: {  	v10 =	vld [tilespmem:s30+$0xFFFFFF40]  }
0x137: {  	v9 =	vld [tilespmem:s30+$0xFFFFFF50]  }
0x138: {  	v12 =	vld [tilespmem:s30+$0xFFFFFF70]  }
0x139: {  	v17 =	vld [tilespmem:s30+$0xFFFFFFC0]  }
0x13a: {  	v20 =	vld [tilespmem:s30+$0xFFFFFFD0]  }
0x13b: {  	v19 =	vld [tilespmem:s30+$0xFFFFFFF0]  }
0x13c: {  	v22 =	vld [tilespmem:s29+$0xFFFFFF30]  }
0x13d: {  	v23 =	vld [tilespmem:s28+$0xFFFFFF30]  }
0x13e: {  	v24 =	vld [tilespmem:s29+$0xFFFFFF40]  }
0x13f: {  	v25 =	vld [tilespmem:s28+$0xFFFFFF40]  }
0x140: {  	v26 =	vld [tilespmem:s29+$0xFFFFFF50]  }
0x141: {  	v27 =	vld [tilespmem:s28+$0xFFFFFF50]  }
0x142: {  	v28 =	vld [tilespmem:s29+$0xFFFFFF60]  }
0x143: {  	v29 =	vld [tilespmem:s28+$0xFFFFFF60]  }
0x144: {  	v30 =	vld [tilespmem:s29+$0xFFFFFF70]  }
0x145: {  	v32 =	vld [tilespmem:s28+$0xFFFFFF70]  }
0x146: {  	v35 =	vld [tilespmem:s29+$0xFFFFFF80]  }
0x147: {  	v36 =	vld [tilespmem:s28+$0xFFFFFF80]  }
0x148: {  	v37 =	vld [tilespmem:s29+$0xFFFFFF90]  }
0x149: {  	v39 =	vld [tilespmem:s28+$0xFFFFFF90]  }
0x14a: {  	v41 =	vld [tilespmem:s29+$0xFFFFFFA0]  }
0x14b: {  	v43 =	vld [tilespmem:s28+$0xFFFFFFA0]  }
0x14c: {  	v45 =	vld [tilespmem:s29+$0xFFFFFFB0]  }
0x14d: {  	v47 =	vld [tilespmem:s28+$0xFFFFFFB0]  }
0x14e: {  	v49 =	vld [tilespmem:s29+$0xFFFFFFC0]  }
0x14f: {  	v50 =	vld [tilespmem:s28+$0xFFFFFFC0]  }
0x150: {  	v52 =	vld [tilespmem:s29+$0xFFFFFFD0];
	v11 =	vcvt.s32.f32 v0;
	v31 =	vcvt.s32.f32 v7  }
0x151: {  	v54 =	vld [tilespmem:s28+$0xFFFFFFD0];
	v33 =	vcvt.s32.f32 v6;
	v34 =	vcvt.s32.f32 v8  }
0x152: {  	v56 =	vld [tilespmem:s29+$0xFFFFFFE0];
	v38 =	vcvt.s32.f32 v10;
	v40 =	vcvt.s32.f32 v9  }
0x153: {  	v58 =	vld [tilespmem:s28+$0xFFFFFFE0];
	v44 =	vcvt.s32.f32 v12;
	v55 =	vcvt.s32.f32 v17  }
0x154: {  	v60 =	vld [tilespmem:s29+$0xFFFFFFF0];
	v57 =	vcvt.s32.f32 v20;
	v61 =	vcvt.s32.f32 v19  }
0x155: {  	v62 =	vld [tilespmem:s28+$0xFFFFFFF0];
	v13 =	vmul.f32 $9.999999740e-05, v11;
	v31 =	vmul.f32 $9.999999740e-05, v31  }
0x156: {  	v63 =	vld [tilespmem:s29+$0xFFFFFF10];
	v33 =	vmul.f32 $9.999999740e-05, v33;
	v34 =	vmul.f32 $9.999999740e-05, v34  }
0x157: {  	v11 =	vld [tilespmem:s30+$0xFFFFFF60];
	v38 =	vmul.f32 $9.999999740e-05, v38;
	v40 =	vmul.f32 $9.999999740e-05, v40  }
0x158: {  	v44 =	vmul.f32 $9.999999740e-05, v44;
	v55 =	vmul.f32 $9.999999740e-05, v55;
	v2 =	vld.idx.msk [tilespmem:v2+s16+$0x0], $0xffff  }
0x159: {  	v57 =	vmul.f32 $9.999999740e-05, v57;
	v61 =	vmul.f32 $9.999999740e-05, v61;
	v21 =	vld.idx.msk [tilespmem:v15+s15+$0x0], $0xffff  }
0x15a: {  	v15 =	vld [tilespmem:s30+$0xFFFFFFA0];
	v14 =	vtrunc.f32 v13;
	v31 =	vtrunc.f32 v31  }
0x15b: {  	v23 =	vld.idx.msk [tilespmem:v23+s16+$0x0], $0xffff;
	v33 =	vtrunc.f32 v33;
	v34 =	vtrunc.f32 v34  }
0x15c: {  	v22 =	vld.idx.msk [tilespmem:v22+s15+$0x0], $0xffff;
	v38 =	vtrunc.f32 v38;
	v40 =	vtrunc.f32 v40  }
0x15d: {  	v25 =	vld.idx.msk [tilespmem:v25+s16+$0x0], $0xffff;
	v44 =	vtrunc.f32 v44;
	v55 =	vtrunc.f32 v55  }
0x15e: {  	v24 =	vld.idx.msk [tilespmem:v24+s15+$0x0], $0xffff;
	v57 =	vtrunc.f32 v57;
	v61 =	vtrunc.f32 v61  }
0x15f: {  	v63 =	vld.idx.msk [tilespmem:v63+s15+$0x0], $0xffff;
	v16 =	vcvt.f32.s32 v14;
	v31 =	vcvt.f32.s32 v31  }
0x160: {  	v27 =	vld.idx.msk [tilespmem:v27+s16+$0x0], $0xffff;
	v33 =	vcvt.f32.s32 v33;
	v34 =	vcvt.f32.s32 v34  }
0x161: {  	v26 =	vld.idx.msk [tilespmem:v26+s15+$0x0], $0xffff;
	v38 =	vcvt.f32.s32 v38;
	v40 =	vcvt.f32.s32 v40  }
0x162: {  	v29 =	vld.idx.msk [tilespmem:v29+s16+$0x0], $0xffff;
	v44 =	vcvt.f32.s32 v44;
	v55 =	vcvt.f32.s32 v55  }
0x163: {  	v28 =	vld.idx.msk [tilespmem:v28+s15+$0x0], $0xffff;
	v57 =	vcvt.f32.s32 v57;
	v61 =	vcvt.f32.s32 v61;
	v16 =	vmul.u32 $0xFFFFD8F0, v16  }
0x164: {  	v13 =	vld [tilespmem:s30+$0xFFFFFF80];
	v42 =	vcvt.s32.f32 v11;
	v31 =	vmul.u32 $0xFFFFD8F0, v31;
	v33 =	vmul.u32 $0xFFFFD8F0, v33  }
0x165: {  	v32 =	vld.idx.msk [tilespmem:v32+s16+$0x0], $0xffff;
	v34 =	vmul.u32 $0xFFFFD8F0, v34;
	v38 =	vmul.u32 $0xFFFFD8F0, v38;
	v40 =	vmul.u32 $0xFFFFD8F0, v40  }
0x166: {  	v30 =	vld.idx.msk [tilespmem:v30+s15+$0x0], $0xffff;
	v44 =	vmul.u32 $0xFFFFD8F0, v44;
	v55 =	vmul.u32 $0xFFFFD8F0, v55;
	v57 =	vmul.u32 $0xFFFFD8F0, v57  }
0x167: {  	v36 =	vld.idx.msk [tilespmem:v36+s16+$0x0], $0xffff;
	v61 =	vmul.u32 $0xFFFFD8F0, v61;
	v2 =	vmul.f32 v21, v2;
	v51 =	vcvt.s32.f32 v15  }
0x168: {  	v14 =	vld [tilespmem:s30+$0xFFFFFF90];
	v22 =	vmul.f32 v22, v23;
	v25 =	vmul.f32 v24, v25;
	v0 =	vadd.s32 v0, v16  }
0x169: {  	v21 =	vld [tilespmem:s28+$0xFFFFFF10];
	v46 =	vcvt.s32.f32 v13;
	v42 =	vmul.f32 $9.999999740e-05, v42;
	v7 =	vadd.s32 v7, v31  }
0x16a: {  	v31 =	vld.idx.msk [tilespmem:v35+s15+$0x0], $0xffff;
	v6 =	vadd.s32 v6, v33;
	v8 =	vadd.s32 v8, v34;
	v10 =	vadd.s32 v10, v38  }
0x16b: {  	v9 =	vadd.s32 v9, v40;
	v12 =	vadd.s32 v12, v44;
	v35 =	vld.idx.msk [tilespmem:v43+s16+$0x0], $0xffff;
	v17 =	vadd.s32 v17, v55  }
0x16c: {  	v20 =	vadd.s32 v20, v57;
	v19 =	vadd.s32 v19, v61;
	v43 =	vld.idx.msk [tilespmem:v50+s16+$0x0], $0xffff;
	v50 =	vmul.f32 v28, v29  }
0x16d: {  	v16 =	vld [tilespmem:s30+$0xFFFFFFB0];
	vm14 =	vgt.s32 v0, $0x270F;
	v18 =	vadd.s32 $0xFFFFD8F0, v0;
	v48 =	vcvt.s32.f32 v14  }
0x16e: {  	v33 =	vld.idx.msk [tilespmem:v39+s16+$0x0], $0xffff;
	v51 =	vmul.f32 $9.999999740e-05, v51;
	vm15 =	vgt.s32 v7, $0x270F;
	v0 =	vsel vm14, v18, v0  }
0x16f: {  	v34 =	vld.idx.msk [tilespmem:v37+s15+$0x0], $0xffff;
	v61 =	vadd.s32 $0xFFFFD8F0, v7;
	vm1 =	vgt.s32 v6, $0x270F;
	vm2 =	vgt.s32 v8, $0x270F  }
0x170: {  	v37 =	vld.idx.msk [tilespmem:v41+s15+$0x0], $0xffff;
	v55 =	vadd.s32 $0xFFFFD8F0, v8;
	vm3 =	vgt.s32 v10, $0x270F;
	v44 =	vadd.s32 $0xFFFFD8F0, v10  }
0x171: {  	v41 =	vld.idx.msk [tilespmem:v45+s15+$0x0], $0xffff;
	vm4 =	vgt.s32 v9, $0x270F;
	v45 =	vadd.s32 $0xFFFFD8F0, v9;
	vm6 =	vgt.s32 v12, $0x270F  }
0x172: {  	vm12 =	vgt.s32 v17, $0x270F;
	vm13 =	vgt.s32 v20, $0x270F;
	v18 =	vld [tilespmem:s30+$0xFFFFFFE0];
	v46 =	vmul.f32 $9.999999740e-05, v46  }
0x173: {  	v42 =	vtrunc.f32 v42;
	v7 =	vsel vm15, v61, v7;
	v48 =	vmul.f32 $9.999999740e-05, v48;
	[tilespmem:v0+s21+$0x0] =	vst.idx.add.f32.msk $0xffff, v2  }
0x174: {  	v8 =	vsel vm2, v55, v8;
	v51 =	vtrunc.f32 v51;
	v42 =	vcvt.f32.s32 v42;
	v2 =	vld [tilespmem:s28+$0xFFFFFF20]  }
0x175: {  	v10 =	vsel vm3, v44, v10;
	v46 =	vtrunc.f32 v46;
	v53 =	vcvt.s32.f32 v16;
	v0 =	vld [tilespmem:s29+$0xFFFFFF20]  }
0x176: {  	v38 =	vld.idx.msk [tilespmem:v47+s16+$0x0], $0xffff;
	v9 =	vsel vm4, v45, v9;
	v51 =	vcvt.f32.s32 v51;
	v48 =	vtrunc.f32 v48  }
0x177: {  	v39 =	vld.idx.msk [tilespmem:v52+s15+$0x0], $0xffff;
	vm15 =	vgt.s32 v19, $0x270F;
	v46 =	vcvt.f32.s32 v46;
	v53 =	vmul.f32 $9.999999740e-05, v53  }
0x178: {  	v40 =	vld.idx.msk [tilespmem:v58+s16+$0x0], $0xffff;
	v42 =	vmul.u32 $0xFFFFD8F0, v42;
	v58 =	vmul.f32 v34, v33;
	v48 =	vcvt.f32.s32 v48  }
0x179: {  	v44 =	vld.idx.msk [tilespmem:v62+s16+$0x0], $0xffff;
	v51 =	vmul.u32 $0xFFFFD8F0, v51;
	v46 =	vmul.u32 $0xFFFFD8F0, v46;
	v53 =	vtrunc.f32 v53  }
0x17a: {  	v59 =	vcvt.s32.f32 v18;
	v21 =	vld.idx.msk [tilespmem:v21+s16+$0x0], $0xffff;
	v11 =	vadd.s32 v11, v42;
	v53 =	vcvt.f32.s32 v53  }
0x17b: {  	v48 =	vmul.u32 $0xFFFFD8F0, v48;
	v15 =	vadd.s32 v15, v51;
	v13 =	vadd.s32 v13, v46;
	v46 =	vld.idx.msk [tilespmem:v49+s15+$0x0], $0xffff  }
0x17c: {  	vm5 =	vgt.s32 v11, $0x270F;
	v47 =	vadd.s32 $0xFFFFD8F0, v11;
	v53 =	vmul.u32 $0xFFFFD8F0, v53;
	v2 =	vld.idx.msk [tilespmem:v2+s16+$0x0], $0xffff  }
0x17d: {  	v59 =	vmul.f32 $9.999999740e-05, v59;
	v49 =	vadd.s32 $0xFFFFD8F0, v12;
	vm10 =	vgt.s32 v15, $0x270F;
	v0 =	vld.idx.msk [tilespmem:v0+s15+$0x0], $0xffff  }
0x17e: {  	v42 =	vld.idx.msk [tilespmem:v56+s15+$0x0], $0xffff;
	v61 =	vadd.s32 $0xFFFFD8F0, v15;
	v16 =	vadd.s32 v16, v53;
	v53 =	vadd.s32 $0xFFFFD8F0, v6  }
0x17f: {  	[tilespmem:v8+s21+$0x0] =	vst.idx.add.f32.msk $0xffff, v22;
	v59 =	vtrunc.f32 v59;
	v21 =	vmul.f32 v63, v21;
	v6 =	vsel vm1, v53, v6  }
0x180: {  	[tilespmem:v10+s21+$0x0] =	vst.idx.add.f32.msk $0xffff, v25;
	v11 =	vsel vm5, v47, v11;
	v47 =	vmul.f32 v26, v27;
	v59 =	vcvt.f32.s32 v59  }
0x181: {  	v14 =	vadd.s32 v14, v48;
	vm7 =	vgt.s32 v13, $0x270F;
	[tilespmem:v7+s21+$0x0] =	vst.idx.add.f32.msk $0xffff, v21;
	v7 =	vsel vm6, v49, v12  }
0x182: {  	v48 =	vld.idx.msk [tilespmem:v54+s16+$0x0], $0xffff;
	v57 =	vadd.s32 $0xFFFFD8F0, v13;
	v59 =	vmul.u32 $0xFFFFD8F0, v59;
	v0 =	vmul.f32 v0, v2  }
0x183: {  	v54 =	vmul.f32 v30, v32;
	vm9 =	vgt.s32 v14, $0x270F;
	[tilespmem:v9+s21+$0x0] =	vst.idx.add.f32.msk $0xffff, v47;
	v53 =	vsel vm10, v61, v15  }
0x184: {  	v18 =	vadd.s32 v18, v59;
	v59 =	vadd.s32 $0xFFFFD8F0, v14;
	[tilespmem:v6+s21+$0x0] =	vst.idx.add.f32.msk $0xffff, v0;
	v6 =	vsel vm7, v57, v13  }
0x185: {  	[tilespmem:v11+s21+$0x0] =	vst.idx.add.f32.msk $0xffff, v50;
	vm11 =	vgt.s32 v16, $0x270F;
	v63 =	vadd.s32 $0xFFFFD8F0, v16;
	v49 =	vsel vm9, v59, v14  }
0x186: {  	v51 =	vadd.s32 $0xFFFFD8F0, v20;
	v55 =	vsel vm11, v63, v16;
	v59 =	vmul.f32 v37, v35;
	[tilespmem:v7+s21+$0x0] =	vst.idx.add.f32.msk $0xffff, v54  }
0x187: {  	v56 =	vmul.f32 v31, v36;
	v7 =	vsel vm13, v51, v20;
	v2 =	vld.idx.msk [tilespmem:v60+s15+$0x0], $0xffff;
	v0 =	vadd.s32 $0xFFFFD8F0, v17  }
0x188: {  	vm14 =	vgt.s32 v18, $0x270F;
	[tilespmem:v53+s21+$0x0] =	vst.idx.add.f32.msk $0xffff, v59;
	v57 =	vadd.s32 $0xFFFFD8F0, v18;
	v0 =	vsel vm12, v0, v17  }
0x189: {  	v60 =	vmul.f32 v41, v38;
	v11 =	vsel vm14, v57, v18;
	[tilespmem:v6+s21+$0x0] =	vst.idx.add.f32.msk $0xffff, v56;
	v6 =	vadd.s32 $0xFFFFD8F0, v19  }
0x18a: {  	v62 =	vmul.f32 v39, v48;
	[tilespmem:v49+s21+$0x0] =	vst.idx.add.f32.msk $0xffff, v58;
	v6 =	vsel vm15, v6, v19  }
0x18b: {  	v61 =	vmul.f32 v46, v43;
	[tilespmem:v55+s21+$0x0] =	vst.idx.add.f32.msk $0xffff, v60  }
0x18c: {  	v63 =	vmul.f32 v42, v40;
	[tilespmem:v7+s21+$0x0] =	vst.idx.add.f32.msk $0xffff, v62  }
0x18d: {  	[tilespmem:v0+s21+$0x0] =	vst.idx.add.f32.msk $0xffff, v61;
	v0 =	vmul.f32 v2, v44  }
0x18e: {  	[tilespmem:v11+s21+$0x0] =	vst.idx.add.f32.msk $0xffff, v63  }
0x18f: {  	s31 =	simm.s32 $0x7780;
	s30 =	simm.s32 $0x271;
	[tilespmem:v6+s21+$0x0] =	vst.idx.add.f32.msk $0xffff, v0  }
.LBB2_6:
0x190: {  	v0 =	vld [tilespmem:s31+$0x0];
	s30 =	sadd.s32 $0x10, s30  }
0x191: {  	v6 =	vld [tilespmem:s31+$0xFFFFFF10];
	p1 =	slt.u32 s30, $0x4D1  }
0x192: {  	v7 =	vld [tilespmem:s31+$0xFFFFFF20]  }
0x193: {  	s28 =	sadd.s32 $0x100, s28;
	v8 =	vld [tilespmem:s31+$0xFFFFFF30]  }
0x194: {  	s29 =	sadd.s32 $0x100, s29;
	v2 =	vld [tilespmem:s28+$0x0]  }
0x195: {  	v11 =	vld [tilespmem:s29+$0x0];
	v12 =	vcvt.s32.f32 v0  }
0x196: {  	v13 =	vcvt.s32.f32 v6;
	v9 =	vld [tilespmem:s31+$0xFFFFFF40]  }
0x197: {  	v15 =	vcvt.s32.f32 v7;
	v10 =	vld [tilespmem:s31+$0xFFFFFF50];
	v12 =	vmul.f32 $9.999999740e-05, v12  }
0x198: {  	v13 =	vmul.f32 $9.999999740e-05, v13;
	v16 =	vcvt.s32.f32 v8;
	v14 =	vld [tilespmem:s31+$0xFFFFFF60]  }
0x199: {  	v18 =	vmul.f32 $9.999999740e-05, v15;
	v15 =	vld [tilespmem:s31+$0xFFFFFF70];
	v12 =	vtrunc.f32 v12  }
0x19a: {  	v16 =	vmul.f32 $9.999999740e-05, v16;
	v17 =	vld [tilespmem:s31+$0xFFFFFF80];
	v12 =	vcvt.f32.s32 v12  }
0x19b: {  	v13 =	vtrunc.f32 v13;
	v19 =	vcvt.s32.f32 v9;
	v23 =	vld [tilespmem:s31+$0xFFFFFF90]  }
0x19c: {  	v18 =	vtrunc.f32 v18;
	v20 =	vcvt.s32.f32 v10;
	v2 =	vld.idx.msk [tilespmem:v2+s16+$0x0], $0xffff;
	v12 =	vmul.u32 $0xFFFFD8F0, v12  }
0x19d: {  	v19 =	vmul.f32 $9.999999740e-05, v19;
	v21 =	vcvt.s32.f32 v14;
	v11 =	vld.idx.msk [tilespmem:v11+s15+$0x0], $0xffff  }
0x19e: {  	v20 =	vmul.f32 $9.999999740e-05, v20;
	v22 =	vcvt.s32.f32 v15;
	v32 =	vld [tilespmem:s31+$0xFFFFFFA0];
	v0 =	vadd.s32 v0, v12  }
0x19f: {  	v12 =	vcvt.s32.f32 v17;
	v35 =	vld [tilespmem:s31+$0xFFFFFFB0];
	vm0 =	vgt.s32 v0, $0x270F;
	v24 =	vadd.s32 $0xFFFFD8F0, v0  }
0x1a0: {  	v21 =	vmul.f32 $9.999999740e-05, v21;
	v25 =	vcvt.s32.f32 v23;
	v38 =	vld [tilespmem:s31+$0xFFFFFFC0];
	v0 =	vsel vm0, v24, v0  }
0x1a1: {  	v22 =	vmul.f32 $9.999999740e-05, v22;
	v12 =	vmul.f32 $9.999999740e-05, v12;
	v39 =	vld [tilespmem:s31+$0xFFFFFFD0]  }
0x1a2: {  	v26 =	vtrunc.f32 v16;
	v28 =	vmul.f32 $9.999999740e-05, v25;
	v40 =	vld [tilespmem:s31+$0xFFFFFFE0]  }
0x1a3: {  	v2 =	vmul.f32 v11, v2;
	v16 =	vcvt.s32.f32 v32;
	v41 =	vld [tilespmem:s31+$0xFFFFFFF0]  }
0x1a4: {  	v30 =	vtrunc.f32 v19;
	v27 =	vld [tilespmem:s28+$0xFFFFFF10];
	v11 =	vcvt.s32.f32 v35  }
0x1a5: {  	v19 =	vmul.f32 $9.999999740e-05, v16;
	v16 =	vcvt.s32.f32 v38;
	[tilespmem:v0+s21+$0x0] =	vst.idx.add.f32.msk $0xffff, v2  }
0x1a6: {  	v25 =	vld [tilespmem:s29+$0xFFFFFF20];
	v0 =	vmul.f32 $9.999999740e-05, v11;
	v2 =	vcvt.s32.f32 v39  }
0x1a7: {  	v34 =	vld [tilespmem:s28+$0xFFFFFF20];
	v11 =	vmul.f32 $9.999999740e-05, v16;
	v16 =	vcvt.s32.f32 v40  }
0x1a8: {  	v24 =	vld [tilespmem:s29+$0xFFFFFF30];
	v2 =	vmul.f32 $9.999999740e-05, v2;
	v29 =	vcvt.s32.f32 v41  }
0x1a9: {  	v33 =	vtrunc.f32 v20;
	v31 =	vld [tilespmem:s28+$0xFFFFFF30];
	v36 =	vmul.f32 $9.999999740e-05, v16  }
0x1aa: {  	v37 =	vtrunc.f32 v21;
	v16 =	vld [tilespmem:s29+$0xFFFFFF40];
	v21 =	vmul.f32 $9.999999740e-05, v29  }
0x1ab: {  	v22 =	vtrunc.f32 v22;
	v42 =	vtrunc.f32 v12;
	v29 =	vld [tilespmem:s28+$0xFFFFFF40]  }
0x1ac: {  	v28 =	vtrunc.f32 v28;
	v43 =	vtrunc.f32 v19;
	v12 =	vld [tilespmem:s29+$0xFFFFFF50]  }
0x1ad: {  	v0 =	vtrunc.f32 v0;
	v44 =	vtrunc.f32 v11;
	v20 =	vld [tilespmem:s28+$0xFFFFFF50]  }
0x1ae: {  	v2 =	vtrunc.f32 v2;
	v36 =	vtrunc.f32 v36;
	v11 =	vld [tilespmem:s29+$0xFFFFFF60]  }
0x1af: {  	v45 =	vcvt.f32.s32 v13;
	v46 =	vtrunc.f32 v21;
	v19 =	vld [tilespmem:s28+$0xFFFFFF60]  }
0x1b0: {  	v18 =	vcvt.f32.s32 v18;
	v26 =	vcvt.f32.s32 v26;
	v13 =	vld [tilespmem:s29+$0xFFFFFF70]  }
0x1b1: {  	v45 =	vmul.u32 $0xFFFFD8F0, v45;
	v30 =	vcvt.f32.s32 v30;
	v33 =	vcvt.f32.s32 v33;
	v21 =	vld [tilespmem:s28+$0xFFFFFF70]  }
0x1b2: {  	v47 =	vmul.u32 $0xFFFFD8F0, v18;
	v37 =	vcvt.f32.s32 v37;
	v48 =	vcvt.f32.s32 v22;
	v18 =	vld [tilespmem:s29+$0xFFFFFF80]  }
0x1b3: {  	v49 =	vmul.u32 $0xFFFFD8F0, v26;
	v42 =	vcvt.f32.s32 v42;
	v50 =	vcvt.f32.s32 v28;
	v26 =	vld [tilespmem:s28+$0xFFFFFF80]  }
0x1b4: {  	v51 =	vmul.u32 $0xFFFFD8F0, v30;
	v43 =	vcvt.f32.s32 v43;
	v0 =	vcvt.f32.s32 v0;
	v22 =	vld [tilespmem:s29+$0xFFFFFF90]  }
0x1b5: {  	v52 =	vmul.u32 $0xFFFFD8F0, v33;
	v44 =	vcvt.f32.s32 v44;
	v2 =	vcvt.f32.s32 v2;
	v30 =	vld [tilespmem:s28+$0xFFFFFF90]  }
0x1b6: {  	v53 =	vmul.u32 $0xFFFFD8F0, v37;
	v54 =	vcvt.f32.s32 v36;
	v46 =	vcvt.f32.s32 v46;
	v28 =	vld [tilespmem:s29+$0xFFFFFFA0]  }
0x1b7: {  	v48 =	vmul.u32 $0xFFFFD8F0, v48;
	v42 =	vmul.u32 $0xFFFFD8F0, v42;
	v50 =	vmul.u32 $0xFFFFD8F0, v50;
	v36 =	vld [tilespmem:s28+$0xFFFFFFA0]  }
0x1b8: {  	v43 =	vmul.u32 $0xFFFFD8F0, v43;
	v0 =	vmul.u32 $0xFFFFD8F0, v0;
	v44 =	vmul.u32 $0xFFFFD8F0, v44;
	v33 =	vld [tilespmem:s29+$0xFFFFFFB0]  }
0x1b9: {  	v2 =	vmul.u32 $0xFFFFD8F0, v2;
	v54 =	vmul.u32 $0xFFFFD8F0, v54;
	v46 =	vmul.u32 $0xFFFFD8F0, v46;
	v37 =	vld [tilespmem:s28+$0xFFFFFFB0]  }
0x1ba: {  	v45 =	vadd.s32 v6, v45;
	v7 =	vadd.s32 v7, v47;
	v8 =	vadd.s32 v8, v49;
	v6 =	vld [tilespmem:s29+$0xFFFFFFC0]  }
0x1bb: {  	v9 =	vadd.s32 v9, v51;
	v10 =	vadd.s32 v10, v52;
	v14 =	vadd.s32 v14, v53;
	v47 =	vld [tilespmem:s28+$0xFFFFFFC0]  }
0x1bc: {  	v15 =	vadd.s32 v15, v48;
	v17 =	vadd.s32 v17, v42;
	v23 =	vadd.s32 v23, v50;
	v42 =	vld [tilespmem:s29+$0xFFFFFFD0]  }
0x1bd: {  	v32 =	vadd.s32 v32, v43;
	v0 =	vadd.s32 v35, v0;
	v35 =	vadd.s32 v38, v44;
	v38 =	vld [tilespmem:s28+$0xFFFFFFD0]  }
0x1be: {  	v2 =	vadd.s32 v39, v2;
	v40 =	vadd.s32 v40, v54;
	v41 =	vadd.s32 v41, v46;
	v39 =	vld [tilespmem:s29+$0xFFFFFFE0]  }
0x1bf: {  	vm0 =	vgt.s32 v45, $0x270F;
	vm1 =	vgt.s32 v7, $0x270F;
	v43 =	vadd.s32 $0xFFFFD8F0, v45;
	v44 =	vld [tilespmem:s28+$0xFFFFFFE0]  }
0x1c0: {  	vm2 =	vgt.s32 v8, $0x270F;
	v48 =	vadd.s32 $0xFFFFD8F0, v8;
	v46 =	vadd.s32 $0xFFFFD8F0, v7;
	v49 =	vld [tilespmem:s29+$0xFFFFFFF0]  }
0x1c1: {  	vm3 =	vgt.s32 v9, $0x270F;
	vm4 =	vgt.s32 v10, $0x270F;
	v50 =	vadd.s32 $0xFFFFD8F0, v9;
	v51 =	vld [tilespmem:s28+$0xFFFFFFF0]  }
0x1c2: {  	v53 =	vadd.s32 $0xFFFFD8F0, v10;
	vm5 =	vgt.s32 v14, $0x270F;
	v54 =	vadd.s32 $0xFFFFD8F0, v14;
	v52 =	vld [tilespmem:s29+$0xFFFFFF10]  }
0x1c3: {  	vm6 =	vgt.s32 v15, $0x270F;
	v55 =	vadd.s32 $0xFFFFD8F0, v15;
	vm7 =	vgt.s32 v17, $0x270F;
	v27 =	vld.idx.msk [tilespmem:v27+s16+$0x0], $0xffff  }
0x1c4: {  	v56 =	vadd.s32 $0xFFFFD8F0, v17;
	vm8 =	vgt.s32 v23, $0x270F;
	v57 =	vadd.s32 $0xFFFFD8F0, v23;
	v34 =	vld.idx.msk [tilespmem:v34+s16+$0x0], $0xffff  }
0x1c5: {  	vm9 =	vgt.s32 v32, $0x270F;
	v58 =	vadd.s32 $0xFFFFD8F0, v32;
	vm10 =	vgt.s32 v0, $0x270F;
	v25 =	vld.idx.msk [tilespmem:v25+s15+$0x0], $0xffff  }
0x1c6: {  	v59 =	vadd.s32 $0xFFFFD8F0, v0;
	vm11 =	vgt.s32 v35, $0x270F;
	v60 =	vadd.s32 $0xFFFFD8F0, v35;
	v31 =	vld.idx.msk [tilespmem:v31+s16+$0x0], $0xffff  }
0x1c7: {  	vm13 =	vgt.s32 v2, $0x270F;
	v61 =	vadd.s32 $0xFFFFD8F0, v2;
	vm12 =	vgt.s32 v40, $0x270F;
	v24 =	vld.idx.msk [tilespmem:v24+s15+$0x0], $0xffff  }
0x1c8: {  	v62 =	vadd.s32 $0xFFFFD8F0, v40;
	vm14 =	vgt.s32 v41, $0x270F;
	v63 =	vadd.s32 $0xFFFFD8F0, v41;
	v29 =	vld.idx.msk [tilespmem:v29+s16+$0x0], $0xffff  }
0x1c9: {  	v8 =	vsel vm2, v48, v8;
	v43 =	vsel vm0, v43, v45;
	v7 =	vsel vm1, v46, v7;
	v16 =	vld.idx.msk [tilespmem:v16+s15+$0x0], $0xffff  }
0x1ca: {  	v10 =	vsel vm4, v53, v10;
	v9 =	vsel vm3, v50, v9;
	v14 =	vsel vm5, v54, v14;
	v45 =	vld.idx.msk [tilespmem:v52+s15+$0x0], $0xffff  }
0x1cb: {  	v15 =	vsel vm6, v55, v15;
	v17 =	vsel vm7, v56, v17;
	v25 =	vmul.f32 v25, v34;
	v20 =	vld.idx.msk [tilespmem:v20+s16+$0x0], $0xffff  }
0x1cc: {  	v23 =	vsel vm8, v57, v23;
	v32 =	vsel vm9, v58, v32;
	v0 =	vsel vm10, v59, v0;
	v12 =	vld.idx.msk [tilespmem:v12+s15+$0x0], $0xffff  }
0x1cd: {  	v2 =	vsel vm13, v61, v2;
	v24 =	vmul.f32 v24, v31;
	v31 =	vsel vm11, v60, v35;
	v19 =	vld.idx.msk [tilespmem:v19+s16+$0x0], $0xffff  }
0x1ce: {  	v34 =	vsel vm12, v62, v40;
	v35 =	vsel vm14, v63, v41;
	v11 =	vld.idx.msk [tilespmem:v11+s15+$0x0], $0xffff  }
0x1cf: {  	v16 =	vmul.f32 v16, v29;
	v21 =	vld.idx.msk [tilespmem:v21+s16+$0x0], $0xffff  }
0x1d0: {  	v27 =	vmul.f32 v45, v27;
	v13 =	vld.idx.msk [tilespmem:v13+s15+$0x0], $0xffff  }
0x1d1: {  	v26 =	vld.idx.msk [tilespmem:v26+s16+$0x0], $0xffff  }
0x1d2: {  	v12 =	vmul.f32 v12, v20;
	v18 =	vld.idx.msk [tilespmem:v18+s15+$0x0], $0xffff  }
0x1d3: {  	v20 =	vld.idx.msk [tilespmem:v30+s16+$0x0], $0xffff  }
0x1d4: {  	v11 =	vmul.f32 v11, v19;
	v19 =	vld.idx.msk [tilespmem:v22+s15+$0x0], $0xffff  }
0x1d5: {  	v22 =	vld.idx.msk [tilespmem:v36+s16+$0x0], $0xffff  }
0x1d6: {  	v13 =	vmul.f32 v13, v21;
	v21 =	vld.idx.msk [tilespmem:v28+s15+$0x0], $0xffff  }
0x1d7: {  	v28 =	vld.idx.msk [tilespmem:v37+s16+$0x0], $0xffff  }
0x1d8: {  	v18 =	vmul.f32 v18, v26;
	v26 =	vld.idx.msk [tilespmem:v33+s15+$0x0], $0xffff  }
0x1d9: {  	v29 =	vld.idx.msk [tilespmem:v47+s16+$0x0], $0xffff  }
0x1da: {  	v19 =	vmul.f32 v19, v20;
	v6 =	vld.idx.msk [tilespmem:v6+s15+$0x0], $0xffff  }
0x1db: {  	v20 =	vld.idx.msk [tilespmem:v38+s16+$0x0], $0xffff  }
0x1dc: {  	v21 =	vmul.f32 v21, v22;
	v22 =	vld.idx.msk [tilespmem:v42+s15+$0x0], $0xffff  }
0x1dd: {  	v30 =	vld.idx.msk [tilespmem:v44+s16+$0x0], $0xffff  }
0x1de: {  	v26 =	vmul.f32 v26, v28;
	v28 =	vld.idx.msk [tilespmem:v39+s15+$0x0], $0xffff  }
0x1df: {  	v33 =	vld.idx.msk [tilespmem:v51+s16+$0x0], $0xffff  }
0x1e0: {  	v6 =	vmul.f32 v6, v29;
	v29 =	vld.idx.msk [tilespmem:v49+s15+$0x0], $0xffff  }
0x1e1: {  	[tilespmem:v43+s21+$0x0] =	vst.idx.add.f32.msk $0xffff, v27  }
0x1e2: {  	[tilespmem:v7+s21+$0x0] =	vst.idx.add.f32.msk $0xffff, v25;
	v7 =	vmul.f32 v22, v20  }
0x1e3: {  	[tilespmem:v8+s21+$0x0] =	vst.idx.add.f32.msk $0xffff, v24  }
0x1e4: {  	v8 =	vmul.f32 v28, v30;
	[tilespmem:v9+s21+$0x0] =	vst.idx.add.f32.msk $0xffff, v16  }
0x1e5: {  	[tilespmem:v10+s21+$0x0] =	vst.idx.add.f32.msk $0xffff, v12  }
0x1e6: {  	v9 =	vmul.f32 v29, v33;
	[tilespmem:v14+s21+$0x0] =	vst.idx.add.f32.msk $0xffff, v11  }
0x1e7: {  	[tilespmem:v15+s21+$0x0] =	vst.idx.add.f32.msk $0xffff, v13  }
0x1e8: {  	[tilespmem:v17+s21+$0x0] =	vst.idx.add.f32.msk $0xffff, v18  }
0x1e9: {  	[tilespmem:v23+s21+$0x0] =	vst.idx.add.f32.msk $0xffff, v19  }
0x1ea: {  	[tilespmem:v32+s21+$0x0] =	vst.idx.add.f32.msk $0xffff, v21  }
.Ltmp2:
0x1eb: {  	[tilespmem:v0+s21+$0x0] =	vst.idx.add.f32.msk $0xffff, v26;
	(pc) =	sbr.rel @p1 .LBB2_6-.Ltmp2, $4  }
0x1ec: {  	[tilespmem:v31+s21+$0x0] =	vst.idx.add.f32.msk $0xffff, v6  }
0x1ed: {  	[tilespmem:v2+s21+$0x0] =	vst.idx.add.f32.msk $0xffff, v7  }
0x1ee: {  	[tilespmem:v34+s21+$0x0] =	vst.idx.add.f32.msk $0xffff, v8  }
0x1ef: {  	s31 =	sadd.s32 $0x100, s31;
	[tilespmem:v35+s21+$0x0] =	vst.idx.add.f32.msk $0xffff, v9  }
0x1f0: {  	v0 =	vld [tilespmem:$0x9C90];
	_ =	sdelay $0x4  }
0x1f1: {  	v2 =	vld [tilespmem:$0xEB10];
	v6 =	vcvt.s32.f32 v0  }
0x1f2: {  	v7 =	vld [tilespmem:$0x4E10]  }
0x1f3: {  	v6 =	vmul.f32 $9.999999740e-05, v6;
	_ =	sdelay $0x1  }
0x1f4: {  	v6 =	vtrunc.f32 v6  }
0x1f5: {  	v6 =	vcvt.f32.s32 v6;
	_ =	sdelay $0x1  }
0x1f6: {  	v6 =	vmul.u32 $0xFFFFD8F0, v6  }
0x1f7: {  	v2 =	vld.idx.msk [tilespmem:v2+s16+$0x0], $0xffff  }
0x1f8: {  	v7 =	vld.idx.msk [tilespmem:v7+s15+$0x0], $0xffff;
	v0 =	vadd.s32 v0, v6  }
0x1f9: {  	vm0 =	vgt.s32 v0, $0x270F;
	v6 =	vadd.s32 $0xFFFFD8F0, v0  }
0x1fa: {  	v0 =	vsel vm0, v6, v0;
	_ =	sdelay $0x2  }
0x1fb: {  	v2 =	vmul.f32 v7, v2;
	_ =	sdelay $0x1  }
0x1fc: {  	[tilespmem:v0+s21+$0x0] =	vst.idx.add.f32.msk $0xffff, v2  }
0x1fd: {  	[bflag:$0x0] =	sbarrier.arrive $0xFFFF  }
0x1fe: {  	[spmem:s3] =	stream.indirect.scatter.add.f32 [tilespmem:s21], [sflag:$0x3], $0x80, s24, s23, $0xb8;
	[tilespmem:$0x13F00] =	vst v63  }
0x1ff: {  	_ =	swait.ge [sflag:s25], $0x2800  }
0x200: {  	[sflag:s25] =	ssyncset.done $0x0  }
0x201: {  	s28 =	sshrl.u32 @!p0 s3, $0x3;
	s26 =	sadd.s32 $0x1, s26;
	[sflag:s25] =	ssyncadd.s32 $0xFFFFD800  }
0x202: {  	s29 =	simm.s32 @!p0 $0x1C03;
	p1 =	sne.s32 s26, s12;
	[bflag:$0x0] =	sbarrier.arrive $0xFFFF  }
0x203: {  	[hbm:s11], [sflag:s29] =	dma.local @!p0 [spmem:s28], $0x500  }
.Ltmp3:
0x204: {  	_ = 	snop;
	(pc) =	sbr.rel @p1 .LBB2_1-.Ltmp3, $4  }
0x205: {  	s28 =	simm.s32 @!p0 $0x3  }
0x206: {  	_ =	swait.ge @!p0 [sflag:s28], $0x500  }
0x207: {  	[sflag:s28] =	ssyncset.done @!p0 $0x0  }
0x208: {  	[sflag:s28] =	ssyncadd.s32 @!p0 $0xFFFFFB00  }
0x209: {  	_ =	sfence.sel $0x180000  }
0x20a: {  	[bflag:$0x0] =	sbarrier.arrive $0xFFFF  }
0x20b: {  	_ =	strace $0x90000047  }
0x20c: {  	s0 =	sadd.s32 @!p0 $0x100000, s1;
	[bflag:$0x2] =	sbarrier.arrive $0xFFFF  }
0x20d: {  	[sflag:s0] =	ssyncadd.tile.s32 @!p0 $0x1;
	_ =	shalt  }
.Lfunc_end2:
_tile_overlayer_lowered:
.L_overlay_start_2:
0x20e: {  	(tag) =	ssettag $0x2  }
0x20f: {  	s0 =	rddreg [dreg:$0x0];
	s2 =	stileid.u32  }
0x210: {  	s1 =	rddreg [dreg:$0x1];
	p0 =	sne.s32 s2, $0x0  }
0x211: {  	s3 =	rddreg [dreg:$0x2];
	[bflag:$0x3] =	sbarrier.arrive $0xFFFF;
	s2 =	simm.s32 @!p0 $0x1C03  }
0x212: {  	[timem:s3], [sflag:s2] =	dma.local @!p0 [hbm:s0], s1  }
0x213: {  	s0 =	simm.s32 @!p0 $0x3  }
0x214: {  	_ =	swait.ge @!p0 [sflag:s0], s1  }
0x215: {  	s1 =	ssub.s32 @!p0 $0x0, s1;
	[sflag:s0] =	ssyncset.done @!p0 $0x0  }
0x216: {  	[sflag:s0] =	ssyncadd.s32 @!p0 s1  }
0x217: {  	[bflag:$0x3] =	sbarrier.arrive $0xFFFF  }
0x218: {  	_ =	shalt  }

</sc_bundles>
